<compile_context>
chip_gen: v7x
topology: tpu7x:2x2x1
jax: 0.10.2.dev20260603
libtpu: 0.0.44.dev20260713+nightly
codegen_flags: <defaults>
</compile_context>

<pallas_src>
import functools

import jax
import jax.numpy as jnp
from jax import lax
from jax.experimental import pallas as pl
from jax.experimental.pallas import tpu as pltpu
from jax.experimental.pallas import tpu_sc as plsc

DIM = 128
CHUNK = 128


@functools.lru_cache(maxsize=None)
def _make_gather(batch, seq):
    info = plsc.get_sparse_core_info()
    nc, ns = info.num_cores, info.num_subcores
    nw = nc * ns
    n_idx = batch * seq
    b_per_w = n_idx // nw
    n_chunks = b_per_w // CHUNK
    w_per_b = seq // b_per_w
    mesh = plsc.VectorSubcoreMesh(core_axis_name="c", subcore_axis_name="s")

    wchunk = CHUNK
    n_pairs = b_per_w // wchunk
    nbuf = 7
    look = 6
    tasks = [(tbl, cj) for cj in range(n_pairs) for tbl in (0, 1)]

    @functools.partial(
        pl.kernel,
        out_type=(
            jax.ShapeDtypeStruct((batch, seq, DIM), jnp.float32),
            jax.ShapeDtypeStruct((batch, seq, DIM), jnp.float32),
        ),
        mesh=mesh,
        scratch_types=[
            pltpu.VMEM((b_per_w,), jnp.int32),
            pltpu.VMEM((nbuf, wchunk, DIM), jnp.float32),
        ] + [pltpu.SemaphoreType.DMA] * (2 * nbuf),
    )
    def gather_kernel(pos_hbm, cos_hbm, sin_hbm, cos_out, sin_out,
                      idx_v, buf, *sems):
        gsem = sems[:nbuf]
        wsem = sems[nbuf:]
        srcs = (cos_hbm, sin_hbm)
        outs = (cos_out, sin_out)
        wid = lax.axis_index("s") * nc + lax.axis_index("c")
        brow = wid // w_per_b
        col = (wid % w_per_b) * b_per_w
        pltpu.sync_copy(pos_hbm.at[brow, pl.ds(col, b_per_w)], idx_v)

        nt = len(tasks)
        gh = [None] * nt
        wh = [None] * nt
        w_waited = [False] * nt

        def fire_gathers(t):
            tbl, cj = tasks[t]
            b = t % nbuf
            base = cj * wchunk
            gh[t] = pltpu.async_copy(
                srcs[tbl].at[idx_v.at[pl.ds(base, CHUNK)]],
                buf.at[b], gsem[b])

        for t in range(min(look, nt)):
            fire_gathers(t)
        for t in range(nt):
            tbl, cj = tasks[t]
            b = t % nbuf
            gh[t].wait()
            wh[t] = pltpu.async_copy(
                buf.at[b],
                outs[tbl].at[brow, pl.ds(col + cj * wchunk, wchunk)], wsem[b])
            ahead = t + look
            if ahead < nt:
                prev = ahead - nbuf
                if prev >= 0:
                    wh[prev].wait()
                    w_waited[prev] = True
                fire_gathers(ahead)
        for t in range(nt):
            if not w_waited[t]:
                wh[t].wait()

    return gather_kernel


def kernel(x, position_ids, cos_cached, sin_cached):
    del x
    b, s = position_ids.shape
    return _make_gather(b, s)(position_ids, cos_cached, sin_cached)

# --- scband reference (transcript-rebuilt; emitter-appended) ---
"""Pipeline reference for scband-modern-gpt2-rotary-embedding-88441966559280 (READ-ONLY COPY).

The authoritative reference and input builder live on the scoring server;
editing this copy changes nothing except your own understanding.
"""

import jax, jax.numpy as jnp
import numpy as np

DIM = 128
MAX_POS = 8192
ROPE_THETA = 10000.0
BATCH = 4
SEQ = 8192
D_MODEL = 4096


def _build_caches():
    inv_freq = 1.0 / (ROPE_THETA ** (jnp.arange(0, DIM, 2, dtype=jnp.float32) / DIM))
    t = jnp.arange(MAX_POS, dtype=jnp.float32)
    freqs = jnp.outer(t, inv_freq)
    emb = jnp.concatenate([freqs, freqs], axis=-1)
    return jnp.cos(emb), jnp.sin(emb)


def setup_inputs(seed: int = 0) -> dict:
    key = jax.random.key(seed)
    k1, k2 = jax.random.split(key)
    x = jax.random.normal(k1, (BATCH, SEQ, D_MODEL), dtype=jnp.float32)
    position_ids = jax.random.randint(k2, (BATCH, SEQ), 0, MAX_POS, dtype=jnp.int32)
    cos_cached, sin_cached = _build_caches()
    return {"x": x, "position_ids": position_ids, "cos_cached": cos_cached, "sin_cached": sin_cached}


def reference(x, position_ids, cos_cached, sin_cached):
    # faithful translation: gather rows of precomputed cos/sin caches by position ids
    cos = jnp.take(cos_cached, position_ids, axis=0)
    sin = jnp.take(sin_cached, position_ids, axis=0)
    return (cos, sin)

if __name__ == "__main__":
    import jax
    _d = setup_inputs()
    print(jax.jit(kernel)(*tuple(_d.values())))

</pallas_src>

<mosaic_0001>
#map = affine_map<(d0, d1) -> (0, 0)>
#map1 = affine_map<(d0, d1) -> (0, 0, 0)>
module attributes {stable_mosaic.version = 14 : i64} {
  func.func @gather_kernel(%arg0: i32, %arg1: i32, %arg2: memref<4x8192xi32, #tpu.memory_space<hbm>>, %arg3: memref<8192x128xf32, #tpu.memory_space<hbm>>, %arg4: memref<8192x128xf32, #tpu.memory_space<hbm>>, %arg5: memref<4x8192x128xf32, #tpu.memory_space<hbm>>, %arg6: memref<4x8192x128xf32, #tpu.memory_space<hbm>>, %arg7: memref<1024xi32, #tpu.memory_space<vmem>>, %arg8: memref<7x128x128xf32, #tpu.memory_space<vmem>>, %arg9: memref<!tpu.dma_semaphore, #tpu.memory_space<semaphore_mem>>, %arg10: memref<!tpu.dma_semaphore, #tpu.memory_space<semaphore_mem>>, %arg11: memref<!tpu.dma_semaphore, #tpu.memory_space<semaphore_mem>>, %arg12: memref<!tpu.dma_semaphore, #tpu.memory_space<semaphore_mem>>, %arg13: memref<!tpu.dma_semaphore, #tpu.memory_space<semaphore_mem>>, %arg14: memref<!tpu.dma_semaphore, #tpu.memory_space<semaphore_mem>>, %arg15: memref<!tpu.dma_semaphore, #tpu.memory_space<semaphore_mem>>, %arg16: memref<!tpu.dma_semaphore, #tpu.memory_space<semaphore_mem>>, %arg17: memref<!tpu.dma_semaphore, #tpu.memory_space<semaphore_mem>>, %arg18: memref<!tpu.dma_semaphore, #tpu.memory_space<semaphore_mem>>, %arg19: memref<!tpu.dma_semaphore, #tpu.memory_space<semaphore_mem>>, %arg20: memref<!tpu.dma_semaphore, #tpu.memory_space<semaphore_mem>>, %arg21: memref<!tpu.dma_semaphore, #tpu.memory_space<semaphore_mem>>, %arg22: memref<!tpu.dma_semaphore, #tpu.memory_space<semaphore_mem>>) attributes {dimension_semantics = [#tpu.dimension_semantics<core_parallel>, #tpu.dimension_semantics<subcore_parallel>], iteration_bounds = array<i64: 2, 16>, scalar_prefetch = 0 : i64, scratch_operands = 16 : i64, tpu.core_type = #tpu.core_type<sc_vector_subcore>, window_params = [{transform_indices = #map}, {transform_indices = #map}, {transform_indices = #map}, {transform_indices = #map1}, {transform_indices = #map1}]} {
    %mul3A = arith.constant 2 : i32
    %mul3A_0 = arith.muli %arg1, %mul3A : i32
    %add3A = arith.addi %mul3A_0, %arg0 : i32
    %jit3A = arith.constant 8 : i32
    %div3A = arith.divsi %add3A, %jit3A : i32
    %sign3A = arith.constant 0 : i32
    %sign3A_1 = arith.cmpi sgt, %add3A, %sign3A : i32
    %sign3A_2 = arith.extui %sign3A_1 : i1 to i32
    %sign3A_3 = arith.constant 0 : i32
    %sign3A_4 = arith.cmpi slt, %add3A, %sign3A_3 : i32
    %sign3A_5 = arith.extui %sign3A_4 : i1 to i32
    %sign3A_6 = arith.subi %sign3A_2, %sign3A_5 : i32
    %sign3A_7 = arith.constant 0 : i32
    %sign3A_8 = arith.cmpi sgt, %jit3A, %sign3A_7 : i32
    %sign3A_9 = arith.extui %sign3A_8 : i1 to i32
    %sign3A_10 = arith.constant 0 : i32
    %sign3A_11 = arith.cmpi slt, %jit3A, %sign3A_10 : i32
    %sign3A_12 = arith.extui %sign3A_11 : i1 to i32
    %sign3A_13 = arith.subi %sign3A_9, %sign3A_12 : i32
    %ne3A = arith.cmpi ne, %sign3A_6, %sign3A_13 : i32
    %rem3A = arith.remsi %add3A, %jit3A : i32
    %ne3A_14 = arith.constant 0 : i32
    %ne3A_15 = arith.cmpi ne, %rem3A, %ne3A_14 : i32
    %and3A = arith.andi %ne3A, %ne3A_15 : i1
    %sub3A = arith.constant 1 : i32
    %sub3A_16 = arith.subi %div3A, %sub3A : i32
    %select_n3A = arith.select %and3A, %sub3A_16, %div3A : i32
    %jit3A_17 = arith.constant 8 : i32
    %eq3A = arith.constant 0 : i32
    %eq3A_18 = arith.cmpi eq, %jit3A_17, %eq3A : i32
    %jit3A_19 = arith.constant 1 : i32
    %select_n3A_20 = arith.select %eq3A_18, %jit3A_19, %jit3A_17 : i32
    %rem3A_21 = arith.remsi %add3A, %select_n3A_20 : i32
    %ne3A_22 = arith.constant 0 : i32
    %ne3A_23 = arith.cmpi ne, %rem3A_21, %ne3A_22 : i32
    %lt3A = arith.constant 0 : i32
    %lt3A_24 = arith.cmpi slt, %rem3A_21, %lt3A : i32
    %lt3A_25 = arith.constant 0 : i32
    %lt3A_26 = arith.cmpi slt, %select_n3A_20, %lt3A_25 : i32
    %ne3A_27 = arith.xori %lt3A_24, %lt3A_26 : i1
    %and3A_28 = arith.andi %ne3A_27, %ne3A_23 : i1
    %add3A_29 = arith.addi %rem3A_21, %select_n3A_20 : i32
    %select_n3A_30 = arith.select %and3A_28, %add3A_29, %rem3A_21 : i32
    %mul3A_31 = arith.constant 1024 : i32
    %mul3A_32 = arith.muli %select_n3A_30, %mul3A_31 : i32
    "tpu.region"() ({
      %run_scoped3A = tpu.sem_alloc : memref<!tpu.dma_semaphore, #tpu.memory_space<semaphore_mem>>
      %dma_start3A_863 = tpu.memref_slice %arg2[%select_n3A, %mul3A_32] : memref<4x8192xi32, #tpu.memory_space<hbm>> -> memref<1x1024xi32, #tpu.memory_space<hbm>>
      %dma_start3A_864 = tpu.memref_squeeze %dma_start3A_863 : memref<1x1024xi32, #tpu.memory_space<hbm>> -> memref<1024xi32, #tpu.memory_space<hbm>>
      %dma_start3A_865 = tpu.memref_slice %arg2[%select_n3A, %mul3A_32] : memref<4x8192xi32, #tpu.memory_space<hbm>> -> memref<1x1024xi32, #tpu.memory_space<hbm>>
      %dma_start3A_866 = tpu.memref_squeeze %dma_start3A_865 : memref<1x1024xi32, #tpu.memory_space<hbm>> -> memref<1024xi32, #tpu.memory_space<hbm>>
      tpu.enqueue_dma source(%dma_start3A_866 : memref<1024xi32, #tpu.memory_space<hbm>>) target(%arg7 : memref<1024xi32, #tpu.memory_space<vmem>>) target_semaphore(%run_scoped3A : memref<!tpu.dma_semaphore, #tpu.memory_space<semaphore_mem>>)
      %dma_wait3A_867 = tpu.memref_slice %arg2[%select_n3A, %mul3A_32] : memref<4x8192xi32, #tpu.memory_space<hbm>> -> memref<1x1024xi32, #tpu.memory_space<hbm>>
      %dma_wait3A_868 = tpu.memref_squeeze %dma_wait3A_867 : memref<1x1024xi32, #tpu.memory_space<hbm>> -> memref<1024xi32, #tpu.memory_space<hbm>>
      %dma_wait3A_869 = tpu.memref_slice %arg2[%select_n3A, %mul3A_32] : memref<4x8192xi32, #tpu.memory_space<hbm>> -> memref<1x1024xi32, #tpu.memory_space<hbm>>
      %dma_wait3A_870 = tpu.memref_squeeze %dma_wait3A_869 : memref<1x1024xi32, #tpu.memory_space<hbm>> -> memref<1024xi32, #tpu.memory_space<hbm>>
      tpu.wait_dma2 semaphore(%run_scoped3A : memref<!tpu.dma_semaphore, #tpu.memory_space<semaphore_mem>>) src(%dma_wait3A_870 : memref<1024xi32, #tpu.memory_space<hbm>>) dst(%arg7 : memref<1024xi32, #tpu.memory_space<vmem>>)
      tpu.yield
    }) : () -> ()
    %dma_start3A = arith.constant 0 : i32
    %dma_start3A_33 = arith.constant 0 : i32
    %dma_start3A_34 = arith.constant 0 : i32
    %dma_start3A_35 = tpu.memref_slice %arg8[%dma_start3A, %dma_start3A_33, %dma_start3A_34] : memref<7x128x128xf32, #tpu.memory_space<vmem>> -> memref<1x128x128xf32, #tpu.memory_space<vmem>>
    %dma_start3A_36 = tpu.memref_squeeze %dma_start3A_35 : memref<1x128x128xf32, #tpu.memory_space<vmem>> -> memref<128x128xf32, #tpu.memory_space<vmem>>
    %dma_start3A_37 = arith.constant 0 : i32
    %dma_start3A_38 = tpu.memref_slice %arg7[%dma_start3A_37] : memref<1024xi32, #tpu.memory_space<vmem>> -> memref<128xi32, #tpu.memory_space<vmem>>
    %dma_start3A_39 = arith.constant 0 : i32
    %dma_start3A_40 = arith.constant 0 : i32
    %dma_start3A_41 = tpu.memref_slice %arg3[%dma_start3A_39, %dma_start3A_40] : memref<8192x128xf32, #tpu.memory_space<hbm>> -> memref<8192x128xf32, #tpu.memory_space<hbm>>
    tpu.enqueue_indirect_dma source(%dma_start3A_41 : memref<8192x128xf32, #tpu.memory_space<hbm>>) target(%dma_start3A_36 : memref<128x128xf32, #tpu.memory_space<vmem>>) offsets(%dma_start3A_38 : memref<128xi32, #tpu.memory_space<vmem>>) semaphore(%arg9 : memref<!tpu.dma_semaphore, #tpu.memory_space<semaphore_mem>>)
    %dma_start3A_42 = arith.constant 1 : i32
    %dma_start3A_43 = arith.constant 0 : i32
    %dma_start3A_44 = arith.constant 0 : i32
    %dma_start3A_45 = tpu.memref_slice %arg8[%dma_start3A_42, %dma_start3A_43, %dma_start3A_44] : memref<7x128x128xf32, #tpu.memory_space<vmem>> -> memref<1x128x128xf32, #tpu.memory_space<vmem>>
    %dma_start3A_46 = tpu.memref_squeeze %dma_start3A_45 : memref<1x128x128xf32, #tpu.memory_space<vmem>> -> memref<128x128xf32, #tpu.memory_space<vmem>>
    %dma_start3A_47 = arith.constant 0 : i32
    %dma_start3A_48 = tpu.memref_slice %arg7[%dma_start3A_47] : memref<1024xi32, #tpu.memory_space<vmem>> -> memref<128xi32, #tpu.memory_space<vmem>>
    %dma_start3A_49 = arith.constant 0 : i32
    %dma_start3A_50 = arith.constant 0 : i32
    %dma_start3A_51 = tpu.memref_slice %arg4[%dma_start3A_49, %dma_start3A_50] : memref<8192x128xf32, #tpu.memory_space<hbm>> -> memref<8192x128xf32, #tpu.memory_space<hbm>>
    tpu.enqueue_indirect_dma source(%dma_start3A_51 : memref<8192x128xf32, #tpu.memory_space<hbm>>) target(%dma_start3A_46 : memref<128x128xf32, #tpu.memory_space<vmem>>) offsets(%dma_start3A_48 : memref<128xi32, #tpu.memory_space<vmem>>) semaphore(%arg10 : memref<!tpu.dma_semaphore, #tpu.memory_space<semaphore_mem>>)
    %dma_start3A_52 = arith.constant 2 : i32
    %dma_start3A_53 = arith.constant 0 : i32
    %dma_start3A_54 = arith.constant 0 : i32
    %dma_start3A_55 = tpu.memref_slice %arg8[%dma_start3A_52, %dma_start3A_53, %dma_start3A_54] : memref<7x128x128xf32, #tpu.memory_space<vmem>> -> memref<1x128x128xf32, #tpu.memory_space<vmem>>
    %dma_start3A_56 = tpu.memref_squeeze %dma_start3A_55 : memref<1x128x128xf32, #tpu.memory_space<vmem>> -> memref<128x128xf32, #tpu.memory_space<vmem>>
    %dma_start3A_57 = arith.constant 128 : i32
    %dma_start3A_58 = tpu.memref_slice %arg7[%dma_start3A_57] : memref<1024xi32, #tpu.memory_space<vmem>> -> memref<128xi32, #tpu.memory_space<vmem>>
    %dma_start3A_59 = arith.constant 0 : i32
    %dma_start3A_60 = arith.constant 0 : i32
    %dma_start3A_61 = tpu.memref_slice %arg3[%dma_start3A_59, %dma_start3A_60] : memref<8192x128xf32, #tpu.memory_space<hbm>> -> memref<8192x128xf32, #tpu.memory_space<hbm>>
    tpu.enqueue_indirect_dma source(%dma_start3A_61 : memref<8192x128xf32, #tpu.memory_space<hbm>>) target(%dma_start3A_56 : memref<128x128xf32, #tpu.memory_space<vmem>>) offsets(%dma_start3A_58 : memref<128xi32, #tpu.memory_space<vmem>>) semaphore(%arg11 : memref<!tpu.dma_semaphore, #tpu.memory_space<semaphore_mem>>)
    %dma_start3A_62 = arith.constant 3 : i32
    %dma_start3A_63 = arith.constant 0 : i32
    %dma_start3A_64 = arith.constant 0 : i32
    %dma_start3A_65 = tpu.memref_slice %arg8[%dma_start3A_62, %dma_start3A_63, %dma_start3A_64] : memref<7x128x128xf32, #tpu.memory_space<vmem>> -> memref<1x128x128xf32, #tpu.memory_space<vmem>>
    %dma_start3A_66 = tpu.memref_squeeze %dma_start3A_65 : memref<1x128x128xf32, #tpu.memory_space<vmem>> -> memref<128x128xf32, #tpu.memory_space<vmem>>
    %dma_start3A_67 = arith.constant 128 : i32
    %dma_start3A_68 = tpu.memref_slice %arg7[%dma_start3A_67] : memref<1024xi32, #tpu.memory_space<vmem>> -> memref<128xi32, #tpu.memory_space<vmem>>
    %dma_start3A_69 = arith.constant 0 : i32
    %dma_start3A_70 = arith.constant 0 : i32
    %dma_start3A_71 = tpu.memref_slice %arg4[%dma_start3A_69, %dma_start3A_70] : memref<8192x128xf32, #tpu.memory_space<hbm>> -> memref<8192x128xf32, #tpu.memory_space<hbm>>
    tpu.enqueue_indirect_dma source(%dma_start3A_71 : memref<8192x128xf32, #tpu.memory_space<hbm>>) target(%dma_start3A_66 : memref<128x128xf32, #tpu.memory_space<vmem>>) offsets(%dma_start3A_68 : memref<128xi32, #tpu.memory_space<vmem>>) semaphore(%arg12 : memref<!tpu.dma_semaphore, #tpu.memory_space<semaphore_mem>>)
    %dma_start3A_72 = arith.constant 4 : i32
    %dma_start3A_73 = arith.constant 0 : i32
    %dma_start3A_74 = arith.constant 0 : i32
    %dma_start3A_75 = tpu.memref_slice %arg8[%dma_start3A_72, %dma_start3A_73, %dma_start3A_74] : memref<7x128x128xf32, #tpu.memory_space<vmem>> -> memref<1x128x128xf32, #tpu.memory_space<vmem>>
    %dma_start3A_76 = tpu.memref_squeeze %dma_start3A_75 : memref<1x128x128xf32, #tpu.memory_space<vmem>> -> memref<128x128xf32, #tpu.memory_space<vmem>>
    %dma_start3A_77 = arith.constant 256 : i32
    %dma_start3A_78 = tpu.memref_slice %arg7[%dma_start3A_77] : memref<1024xi32, #tpu.memory_space<vmem>> -> memref<128xi32, #tpu.memory_space<vmem>>
    %dma_start3A_79 = arith.constant 0 : i32
    %dma_start3A_80 = arith.constant 0 : i32
    %dma_start3A_81 = tpu.memref_slice %arg3[%dma_start3A_79, %dma_start3A_80] : memref<8192x128xf32, #tpu.memory_space<hbm>> -> memref<8192x128xf32, #tpu.memory_space<hbm>>
    tpu.enqueue_indirect_dma source(%dma_start3A_81 : memref<8192x128xf32, #tpu.memory_space<hbm>>) target(%dma_start3A_76 : memref<128x128xf32, #tpu.memory_space<vmem>>) offsets(%dma_start3A_78 : memref<128xi32, #tpu.memory_space<vmem>>) semaphore(%arg13 : memref<!tpu.dma_semaphore, #tpu.memory_space<semaphore_mem>>)
    %dma_start3A_82 = arith.constant 5 : i32
    %dma_start3A_83 = arith.constant 0 : i32
    %dma_start3A_84 = arith.constant 0 : i32
    %dma_start3A_85 = tpu.memref_slice %arg8[%dma_start3A_82, %dma_start3A_83, %dma_start3A_84] : memref<7x128x128xf32, #tpu.memory_space<vmem>> -> memref<1x128x128xf32, #tpu.memory_space<vmem>>
    %dma_start3A_86 = tpu.memref_squeeze %dma_start3A_85 : memref<1x128x128xf32, #tpu.memory_space<vmem>> -> memref<128x128xf32, #tpu.memory_space<vmem>>
    %dma_start3A_87 = arith.constant 256 : i32
    %dma_start3A_88 = tpu.memref_slice %arg7[%dma_start3A_87] : memref<1024xi32, #tpu.memory_space<vmem>> -> memref<128xi32, #tpu.memory_space<vmem>>
    %dma_start3A_89 = arith.constant 0 : i32
    %dma_start3A_90 = arith.constant 0 : i32
    %dma_start3A_91 = tpu.memref_slice %arg4[%dma_start3A_89, %dma_start3A_90] : memref<8192x128xf32, #tpu.memory_space<hbm>> -> memref<8192x128xf32, #tpu.memory_space<hbm>>
    tpu.enqueue_indirect_dma source(%dma_start3A_91 : memref<8192x128xf32, #tpu.memory_space<hbm>>) target(%dma_start3A_86 : memref<128x128xf32, #tpu.memory_space<vmem>>) offsets(%dma_start3A_88 : memref<128xi32, #tpu.memory_space<vmem>>) semaphore(%arg14 : memref<!tpu.dma_semaphore, #tpu.memory_space<semaphore_mem>>)
    %dma_wait3A = arith.constant 0 : i32
    %dma_wait3A_92 = arith.constant 0 : i32
    %dma_wait3A_93 = arith.constant 0 : i32
    %dma_wait3A_94 = tpu.memref_slice %arg8[%dma_wait3A, %dma_wait3A_92, %dma_wait3A_93] : memref<7x128x128xf32, #tpu.memory_space<vmem>> -> memref<1x128x128xf32, #tpu.memory_space<vmem>>
    %dma_wait3A_95 = tpu.memref_squeeze %dma_wait3A_94 : memref<1x128x128xf32, #tpu.memory_space<vmem>> -> memref<128x128xf32, #tpu.memory_space<vmem>>
    %dma_wait3A_96 = arith.constant 0 : i32
    %dma_wait3A_97 = tpu.memref_slice %arg7[%dma_wait3A_96] : memref<1024xi32, #tpu.memory_space<vmem>> -> memref<128xi32, #tpu.memory_space<vmem>>
    %dma_wait3A_98 = arith.constant 0 : i32
    %dma_wait3A_99 = arith.constant 0 : i32
    %dma_wait3A_100 = tpu.memref_slice %arg3[%dma_wait3A_98, %dma_wait3A_99] : memref<8192x128xf32, #tpu.memory_space<hbm>> -> memref<8192x128xf32, #tpu.memory_space<hbm>>
    tpu.wait_indirect_dma semaphore(%arg9 : memref<!tpu.dma_semaphore, #tpu.memory_space<semaphore_mem>>) src(%dma_wait3A_100 : memref<8192x128xf32, #tpu.memory_space<hbm>>) dst(%dma_wait3A_95 : memref<128x128xf32, #tpu.memory_space<vmem>>)
    %add3A_101 = arith.constant 0 : i32
    %add3A_102 = arith.addi %mul3A_32, %add3A_101 : i32
    %dma_start3A_103 = arith.constant 0 : i32
    %dma_start3A_104 = arith.constant 0 : i32
    %dma_start3A_105 = arith.constant 0 : i32
    %dma_start3A_106 = tpu.memref_slice %arg8[%dma_start3A_103, %dma_start3A_104, %dma_start3A_105] : memref<7x128x128xf32, #tpu.memory_space<vmem>> -> memref<1x128x128xf32, #tpu.memory_space<vmem>>
    %dma_start3A_107 = tpu.memref_squeeze %dma_start3A_106 : memref<1x128x128xf32, #tpu.memory_space<vmem>> -> memref<128x128xf32, #tpu.memory_space<vmem>>
    %dma_start3A_108 = arith.constant 0 : i32
    %dma_start3A_109 = tpu.memref_slice %arg5[%select_n3A, %add3A_102, %dma_start3A_108] : memref<4x8192x128xf32, #tpu.memory_space<hbm>> -> memref<1x128x128xf32, #tpu.memory_space<hbm>>
    %dma_start3A_110 = tpu.memref_squeeze %dma_start3A_109 : memref<1x128x128xf32, #tpu.memory_space<hbm>> -> memref<128x128xf32, #tpu.memory_space<hbm>>
    %dma_start3A_111 = arith.constant 0 : i32
    %dma_start3A_112 = tpu.memref_slice %arg5[%select_n3A, %add3A_102, %dma_start3A_111] : memref<4x8192x128xf32, #tpu.memory_space<hbm>> -> memref<1x128x128xf32, #tpu.memory_space<hbm>>
    %dma_start3A_113 = tpu.memref_squeeze %dma_start3A_112 : memref<1x128x128xf32, #tpu.memory_space<hbm>> -> memref<128x128xf32, #tpu.memory_space<hbm>>
    %dma_start3A_114 = arith.constant 0 : i32
    %dma_start3A_115 = arith.constant 0 : i32
    %dma_start3A_116 = tpu.memref_slice %arg8[%dma_start3A_103, %dma_start3A_114, %dma_start3A_115] : memref<7x128x128xf32, #tpu.memory_space<vmem>> -> memref<1x128x128xf32, #tpu.memory_space<vmem>>
    %dma_start3A_117 = tpu.memref_squeeze %dma_start3A_116 : memref<1x128x128xf32, #tpu.memory_space<vmem>> -> memref<128x128xf32, #tpu.memory_space<vmem>>
    tpu.enqueue_dma source(%dma_start3A_117 : memref<128x128xf32, #tpu.memory_space<vmem>>) target(%dma_start3A_113 : memref<128x128xf32, #tpu.memory_space<hbm>>) target_semaphore(%arg16 : memref<!tpu.dma_semaphore, #tpu.memory_space<semaphore_mem>>)
    %dma_start3A_118 = arith.constant 6 : i32
    %dma_start3A_119 = arith.constant 0 : i32
    %dma_start3A_120 = arith.constant 0 : i32
    %dma_start3A_121 = tpu.memref_slice %arg8[%dma_start3A_118, %dma_start3A_119, %dma_start3A_120] : memref<7x128x128xf32, #tpu.memory_space<vmem>> -> memref<1x128x128xf32, #tpu.memory_space<vmem>>
    %dma_start3A_122 = tpu.memref_squeeze %dma_start3A_121 : memref<1x128x128xf32, #tpu.memory_space<vmem>> -> memref<128x128xf32, #tpu.memory_space<vmem>>
    %dma_start3A_123 = arith.constant 384 : i32
    %dma_start3A_124 = tpu.memref_slice %arg7[%dma_start3A_123] : memref<1024xi32, #tpu.memory_space<vmem>> -> memref<128xi32, #tpu.memory_space<vmem>>
    %dma_start3A_125 = arith.constant 0 : i32
    %dma_start3A_126 = arith.constant 0 : i32
    %dma_start3A_127 = tpu.memref_slice %arg3[%dma_start3A_125, %dma_start3A_126] : memref<8192x128xf32, #tpu.memory_space<hbm>> -> memref<8192x128xf32, #tpu.memory_space<hbm>>
    tpu.enqueue_indirect_dma source(%dma_start3A_127 : memref<8192x128xf32, #tpu.memory_space<hbm>>) target(%dma_start3A_122 : memref<128x128xf32, #tpu.memory_space<vmem>>) offsets(%dma_start3A_124 : memref<128xi32, #tpu.memory_space<vmem>>) semaphore(%arg15 : memref<!tpu.dma_semaphore, #tpu.memory_space<semaphore_mem>>)
    %dma_wait3A_128 = arith.constant 1 : i32
    %dma_wait3A_129 = arith.constant 0 : i32
    %dma_wait3A_130 = arith.constant 0 : i32
    %dma_wait3A_131 = tpu.memref_slice %arg8[%dma_wait3A_128, %dma_wait3A_129, %dma_wait3A_130] : memref<7x128x128xf32, #tpu.memory_space<vmem>> -> memref<1x128x128xf32, #tpu.memory_space<vmem>>
    %dma_wait3A_132 = tpu.memref_squeeze %dma_wait3A_131 : memref<1x128x128xf32, #tpu.memory_space<vmem>> -> memref<128x128xf32, #tpu.memory_space<vmem>>
    %dma_wait3A_133 = arith.constant 0 : i32
    %dma_wait3A_134 = tpu.memref_slice %arg7[%dma_wait3A_133] : memref<1024xi32, #tpu.memory_space<vmem>> -> memref<128xi32, #tpu.memory_space<vmem>>
    %dma_wait3A_135 = arith.constant 0 : i32
    %dma_wait3A_136 = arith.constant 0 : i32
    %dma_wait3A_137 = tpu.memref_slice %arg4[%dma_wait3A_135, %dma_wait3A_136] : memref<8192x128xf32, #tpu.memory_space<hbm>> -> memref<8192x128xf32, #tpu.memory_space<hbm>>
    tpu.wait_indirect_dma semaphore(%arg10 : memref<!tpu.dma_semaphore, #tpu.memory_space<semaphore_mem>>) src(%dma_wait3A_137 : memref<8192x128xf32, #tpu.memory_space<hbm>>) dst(%dma_wait3A_132 : memref<128x128xf32, #tpu.memory_space<vmem>>)
    %add3A_138 = arith.constant 0 : i32
    %add3A_139 = arith.addi %mul3A_32, %add3A_138 : i32
    %dma_start3A_140 = arith.constant 1 : i32
    %dma_start3A_141 = arith.constant 0 : i32
    %dma_start3A_142 = arith.constant 0 : i32
    %dma_start3A_143 = tpu.memref_slice %arg8[%dma_start3A_140, %dma_start3A_141, %dma_start3A_142] : memref<7x128x128xf32, #tpu.memory_space<vmem>> -> memref<1x128x128xf32, #tpu.memory_space<vmem>>
    %dma_start3A_144 = tpu.memref_squeeze %dma_start3A_143 : memref<1x128x128xf32, #tpu.memory_space<vmem>> -> memref<128x128xf32, #tpu.memory_space<vmem>>
    %dma_start3A_145 = arith.constant 0 : i32
    %dma_start3A_146 = tpu.memref_slice %arg6[%select_n3A, %add3A_139, %dma_start3A_145] : memref<4x8192x128xf32, #tpu.memory_space<hbm>> -> memref<1x128x128xf32, #tpu.memory_space<hbm>>
    %dma_start3A_147 = tpu.memref_squeeze %dma_start3A_146 : memref<1x128x128xf32, #tpu.memory_space<hbm>> -> memref<128x128xf32, #tpu.memory_space<hbm>>
    %dma_start3A_148 = arith.constant 0 : i32
    %dma_start3A_149 = tpu.memref_slice %arg6[%select_n3A, %add3A_139, %dma_start3A_148] : memref<4x8192x128xf32, #tpu.memory_space<hbm>> -> memref<1x128x128xf32, #tpu.memory_space<hbm>>
    %dma_start3A_150 = tpu.memref_squeeze %dma_start3A_149 : memref<1x128x128xf32, #tpu.memory_space<hbm>> -> memref<128x128xf32, #tpu.memory_space<hbm>>
    %dma_start3A_151 = arith.constant 0 : i32
    %dma_start3A_152 = arith.constant 0 : i32
    %dma_start3A_153 = tpu.memref_slice %arg8[%dma_start3A_140, %dma_start3A_151, %dma_start3A_152] : memref<7x128x128xf32, #tpu.memory_space<vmem>> -> memref<1x128x128xf32, #tpu.memory_space<vmem>>
    %dma_start3A_154 = tpu.memref_squeeze %dma_start3A_153 : memref<1x128x128xf32, #tpu.memory_space<vmem>> -> memref<128x128xf32, #tpu.memory_space<vmem>>
    tpu.enqueue_dma source(%dma_start3A_154 : memref<128x128xf32, #tpu.memory_space<vmem>>) target(%dma_start3A_150 : memref<128x128xf32, #tpu.memory_space<hbm>>) target_semaphore(%arg17 : memref<!tpu.dma_semaphore, #tpu.memory_space<semaphore_mem>>)
    %dma_wait3A_155 = arith.constant 0 : i32
    %dma_wait3A_156 = arith.constant 0 : i32
    %dma_wait3A_157 = arith.constant 0 : i32
    %dma_wait3A_158 = tpu.memref_slice %arg8[%dma_wait3A_155, %dma_wait3A_156, %dma_wait3A_157] : memref<7x128x128xf32, #tpu.memory_space<vmem>> -> memref<1x128x128xf32, #tpu.memory_space<vmem>>
    %dma_wait3A_159 = tpu.memref_squeeze %dma_wait3A_158 : memref<1x128x128xf32, #tpu.memory_space<vmem>> -> memref<128x128xf32, #tpu.memory_space<vmem>>
    %dma_wait3A_160 = arith.constant 0 : i32
    %dma_wait3A_161 = tpu.memref_slice %arg5[%select_n3A, %add3A_102, %dma_wait3A_160] : memref<4x8192x128xf32, #tpu.memory_space<hbm>> -> memref<1x128x128xf32, #tpu.memory_space<hbm>>
    %dma_wait3A_162 = tpu.memref_squeeze %dma_wait3A_161 : memref<1x128x128xf32, #tpu.memory_space<hbm>> -> memref<128x128xf32, #tpu.memory_space<hbm>>
    %dma_wait3A_163 = arith.constant 0 : i32
    %dma_wait3A_164 = tpu.memref_slice %arg5[%select_n3A, %add3A_102, %dma_wait3A_163] : memref<4x8192x128xf32, #tpu.memory_space<hbm>> -> memref<1x128x128xf32, #tpu.memory_space<hbm>>
    %dma_wait3A_165 = tpu.memref_squeeze %dma_wait3A_164 : memref<1x128x128xf32, #tpu.memory_space<hbm>> -> memref<128x128xf32, #tpu.memory_space<hbm>>
    %dma_wait3A_166 = arith.constant 0 : i32
    %dma_wait3A_167 = arith.constant 0 : i32
    %dma_wait3A_168 = tpu.memref_slice %arg8[%dma_wait3A_155, %dma_wait3A_166, %dma_wait3A_167] : memref<7x128x128xf32, #tpu.memory_space<vmem>> -> memref<1x128x128xf32, #tpu.memory_space<vmem>>
    %dma_wait3A_169 = tpu.memref_squeeze %dma_wait3A_168 : memref<1x128x128xf32, #tpu.memory_space<vmem>> -> memref<128x128xf32, #tpu.memory_space<vmem>>
    tpu.wait_dma2 semaphore(%arg16 : memref<!tpu.dma_semaphore, #tpu.memory_space<semaphore_mem>>) src(%dma_wait3A_169 : memref<128x128xf32, #tpu.memory_space<vmem>>) dst(%dma_wait3A_165 : memref<128x128xf32, #tpu.memory_space<hbm>>)
    %dma_start3A_170 = arith.constant 0 : i32
    %dma_start3A_171 = arith.constant 0 : i32
    %dma_start3A_172 = arith.constant 0 : i32
    %dma_start3A_173 = tpu.memref_slice %arg8[%dma_start3A_170, %dma_start3A_171, %dma_start3A_172] : memref<7x128x128xf32, #tpu.memory_space<vmem>> -> memref<1x128x128xf32, #tpu.memory_space<vmem>>
    %dma_start3A_174 = tpu.memref_squeeze %dma_start3A_173 : memref<1x128x128xf32, #tpu.memory_space<vmem>> -> memref<128x128xf32, #tpu.memory_space<vmem>>
    %dma_start3A_175 = arith.constant 384 : i32
    %dma_start3A_176 = tpu.memref_slice %arg7[%dma_start3A_175] : memref<1024xi32, #tpu.memory_space<vmem>> -> memref<128xi32, #tpu.memory_space<vmem>>
    %dma_start3A_177 = arith.constant 0 : i32
    %dma_start3A_178 = arith.constant 0 : i32
    %dma_start3A_179 = tpu.memref_slice %arg4[%dma_start3A_177, %dma_start3A_178] : memref<8192x128xf32, #tpu.memory_space<hbm>> -> memref<8192x128xf32, #tpu.memory_space<hbm>>
    tpu.enqueue_indirect_dma source(%dma_start3A_179 : memref<8192x128xf32, #tpu.memory_space<hbm>>) target(%dma_start3A_174 : memref<128x128xf32, #tpu.memory_space<vmem>>) offsets(%dma_start3A_176 : memref<128xi32, #tpu.memory_space<vmem>>) semaphore(%arg9 : memref<!tpu.dma_semaphore, #tpu.memory_space<semaphore_mem>>)
    %dma_wait3A_180 = arith.constant 2 : i32
    %dma_wait3A_181 = arith.constant 0 : i32
    %dma_wait3A_182 = arith.constant 0 : i32
    %dma_wait3A_183 = tpu.memref_slice %arg8[%dma_wait3A_180, %dma_wait3A_181, %dma_wait3A_182] : memref<7x128x128xf32, #tpu.memory_space<vmem>> -> memref<1x128x128xf32, #tpu.memory_space<vmem>>
    %dma_wait3A_184 = tpu.memref_squeeze %dma_wait3A_183 : memref<1x128x128xf32, #tpu.memory_space<vmem>> -> memref<128x128xf32, #tpu.memory_space<vmem>>
    %dma_wait3A_185 = arith.constant 128 : i32
    %dma_wait3A_186 = tpu.memref_slice %arg7[%dma_wait3A_185] : memref<1024xi32, #tpu.memory_space<vmem>> -> memref<128xi32, #tpu.memory_space<vmem>>
    %dma_wait3A_187 = arith.constant 0 : i32
    %dma_wait3A_188 = arith.constant 0 : i32
    %dma_wait3A_189 = tpu.memref_slice %arg3[%dma_wait3A_187, %dma_wait3A_188] : memref<8192x128xf32, #tpu.memory_space<hbm>> -> memref<8192x128xf32, #tpu.memory_space<hbm>>
    tpu.wait_indirect_dma semaphore(%arg11 : memref<!tpu.dma_semaphore, #tpu.memory_space<semaphore_mem>>) src(%dma_wait3A_189 : memref<8192x128xf32, #tpu.memory_space<hbm>>) dst(%dma_wait3A_184 : memref<128x128xf32, #tpu.memory_space<vmem>>)
    %add3A_190 = arith.constant 128 : i32
    %add3A_191 = arith.addi %mul3A_32, %add3A_190 : i32
    %dma_start3A_192 = arith.constant 2 : i32
    %dma_start3A_193 = arith.constant 0 : i32
    %dma_start3A_194 = arith.constant 0 : i32
    %dma_start3A_195 = tpu.memref_slice %arg8[%dma_start3A_192, %dma_start3A_193, %dma_start3A_194] : memref<7x128x128xf32, #tpu.memory_space<vmem>> -> memref<1x128x128xf32, #tpu.memory_space<vmem>>
    %dma_start3A_196 = tpu.memref_squeeze %dma_start3A_195 : memref<1x128x128xf32, #tpu.memory_space<vmem>> -> memref<128x128xf32, #tpu.memory_space<vmem>>
    %dma_start3A_197 = arith.constant 0 : i32
    %dma_start3A_198 = tpu.memref_slice %arg5[%select_n3A, %add3A_191, %dma_start3A_197] : memref<4x8192x128xf32, #tpu.memory_space<hbm>> -> memref<1x128x128xf32, #tpu.memory_space<hbm>>
    %dma_start3A_199 = tpu.memref_squeeze %dma_start3A_198 : memref<1x128x128xf32, #tpu.memory_space<hbm>> -> memref<128x128xf32, #tpu.memory_space<hbm>>
    %dma_start3A_200 = arith.constant 0 : i32
    %dma_start3A_201 = tpu.memref_slice %arg5[%select_n3A, %add3A_191, %dma_start3A_200] : memref<4x8192x128xf32, #tpu.memory_space<hbm>> -> memref<1x128x128xf32, #tpu.memory_space<hbm>>
    %dma_start3A_202 = tpu.memref_squeeze %dma_start3A_201 : memref<1x128x128xf32, #tpu.memory_space<hbm>> -> memref<128x128xf32, #tpu.memory_space<hbm>>
    %dma_start3A_203 = arith.constant 0 : i32
    %dma_start3A_204 = arith.constant 0 : i32
    %dma_start3A_205 = tpu.memref_slice %arg8[%dma_start3A_192, %dma_start3A_203, %dma_start3A_204] : memref<7x128x128xf32, #tpu.memory_space<vmem>> -> memref<1x128x128xf32, #tpu.memory_space<vmem>>
    %dma_start3A_206 = tpu.memref_squeeze %dma_start3A_205 : memref<1x128x128xf32, #tpu.memory_space<vmem>> -> memref<128x128xf32, #tpu.memory_space<vmem>>
    tpu.enqueue_dma source(%dma_start3A_206 : memref<128x128xf32, #tpu.memory_space<vmem>>) target(%dma_start3A_202 : memref<128x128xf32, #tpu.memory_space<hbm>>) target_semaphore(%arg18 : memref<!tpu.dma_semaphore, #tpu.memory_space<semaphore_mem>>)
    %dma_wait3A_207 = arith.constant 1 : i32
    %dma_wait3A_208 = arith.constant 0 : i32
    %dma_wait3A_209 = arith.constant 0 : i32
    %dma_wait3A_210 = tpu.memref_slice %arg8[%dma_wait3A_207, %dma_wait3A_208, %dma_wait3A_209] : memref<7x128x128xf32, #tpu.memory_space<vmem>> -> memref<1x128x128xf32, #tpu.memory_space<vmem>>
    %dma_wait3A_211 = tpu.memref_squeeze %dma_wait3A_210 : memref<1x128x128xf32, #tpu.memory_space<vmem>> -> memref<128x128xf32, #tpu.memory_space<vmem>>
    %dma_wait3A_212 = arith.constant 0 : i32
    %dma_wait3A_213 = tpu.memref_slice %arg6[%select_n3A, %add3A_139, %dma_wait3A_212] : memref<4x8192x128xf32, #tpu.memory_space<hbm>> -> memref<1x128x128xf32, #tpu.memory_space<hbm>>
    %dma_wait3A_214 = tpu.memref_squeeze %dma_wait3A_213 : memref<1x128x128xf32, #tpu.memory_space<hbm>> -> memref<128x128xf32, #tpu.memory_space<hbm>>
    %dma_wait3A_215 = arith.constant 0 : i32
    %dma_wait3A_216 = tpu.memref_slice %arg6[%select_n3A, %add3A_139, %dma_wait3A_215] : memref<4x8192x128xf32, #tpu.memory_space<hbm>> -> memref<1x128x128xf32, #tpu.memory_space<hbm>>
    %dma_wait3A_217 = tpu.memref_squeeze %dma_wait3A_216 : memref<1x128x128xf32, #tpu.memory_space<hbm>> -> memref<128x128xf32, #tpu.memory_space<hbm>>
    %dma_wait3A_218 = arith.constant 0 : i32
    %dma_wait3A_219 = arith.constant 0 : i32
    %dma_wait3A_220 = tpu.memref_slice %arg8[%dma_wait3A_207, %dma_wait3A_218, %dma_wait3A_219] : memref<7x128x128xf32, #tpu.memory_space<vmem>> -> memref<1x128x128xf32, #tpu.memory_space<vmem>>
    %dma_wait3A_221 = tpu.memref_squeeze %dma_wait3A_220 : memref<1x128x128xf32, #tpu.memory_space<vmem>> -> memref<128x128xf32, #tpu.memory_space<vmem>>
    tpu.wait_dma2 semaphore(%arg17 : memref<!tpu.dma_semaphore, #tpu.memory_space<semaphore_mem>>) src(%dma_wait3A_221 : memref<128x128xf32, #tpu.memory_space<vmem>>) dst(%dma_wait3A_217 : memref<128x128xf32, #tpu.memory_space<hbm>>)
    %dma_start3A_222 = arith.constant 1 : i32
    %dma_start3A_223 = arith.constant 0 : i32
    %dma_start3A_224 = arith.constant 0 : i32
    %dma_start3A_225 = tpu.memref_slice %arg8[%dma_start3A_222, %dma_start3A_223, %dma_start3A_224] : memref<7x128x128xf32, #tpu.memory_space<vmem>> -> memref<1x128x128xf32, #tpu.memory_space<vmem>>
    %dma_start3A_226 = tpu.memref_squeeze %dma_start3A_225 : memref<1x128x128xf32, #tpu.memory_space<vmem>> -> memref<128x128xf32, #tpu.memory_space<vmem>>
    %dma_start3A_227 = arith.constant 512 : i32
    %dma_start3A_228 = tpu.memref_slice %arg7[%dma_start3A_227] : memref<1024xi32, #tpu.memory_space<vmem>> -> memref<128xi32, #tpu.memory_space<vmem>>
    %dma_start3A_229 = arith.constant 0 : i32
    %dma_start3A_230 = arith.constant 0 : i32
    %dma_start3A_231 = tpu.memref_slice %arg3[%dma_start3A_229, %dma_start3A_230] : memref<8192x128xf32, #tpu.memory_space<hbm>> -> memref<8192x128xf32, #tpu.memory_space<hbm>>
    tpu.enqueue_indirect_dma source(%dma_start3A_231 : memref<8192x128xf32, #tpu.memory_space<hbm>>) target(%dma_start3A_226 : memref<128x128xf32, #tpu.memory_space<vmem>>) offsets(%dma_start3A_228 : memref<128xi32, #tpu.memory_space<vmem>>) semaphore(%arg10 : memref<!tpu.dma_semaphore, #tpu.memory_space<semaphore_mem>>)
    %dma_wait3A_232 = arith.constant 3 : i32
    %dma_wait3A_233 = arith.constant 0 : i32
    %dma_wait3A_234 = arith.constant 0 : i32
    %dma_wait3A_235 = tpu.memref_slice %arg8[%dma_wait3A_232, %dma_wait3A_233, %dma_wait3A_234] : memref<7x128x128xf32, #tpu.memory_space<vmem>> -> memref<1x128x128xf32, #tpu.memory_space<vmem>>
    %dma_wait3A_236 = tpu.memref_squeeze %dma_wait3A_235 : memref<1x128x128xf32, #tpu.memory_space<vmem>> -> memref<128x128xf32, #tpu.memory_space<vmem>>
    %dma_wait3A_237 = arith.constant 128 : i32
    %dma_wait3A_238 = tpu.memref_slice %arg7[%dma_wait3A_237] : memref<1024xi32, #tpu.memory_space<vmem>> -> memref<128xi32, #tpu.memory_space<vmem>>
    %dma_wait3A_239 = arith.constant 0 : i32
    %dma_wait3A_240 = arith.constant 0 : i32
    %dma_wait3A_241 = tpu.memref_slice %arg4[%dma_wait3A_239, %dma_wait3A_240] : memref<8192x128xf32, #tpu.memory_space<hbm>> -> memref<8192x128xf32, #tpu.memory_space<hbm>>
    tpu.wait_indirect_dma semaphore(%arg12 : memref<!tpu.dma_semaphore, #tpu.memory_space<semaphore_mem>>) src(%dma_wait3A_241 : memref<8192x128xf32, #tpu.memory_space<hbm>>) dst(%dma_wait3A_236 : memref<128x128xf32, #tpu.memory_space<vmem>>)
    %add3A_242 = arith.constant 128 : i32
    %add3A_243 = arith.addi %mul3A_32, %add3A_242 : i32
    %dma_start3A_244 = arith.constant 3 : i32
    %dma_start3A_245 = arith.constant 0 : i32
    %dma_start3A_246 = arith.constant 0 : i32
    %dma_start3A_247 = tpu.memref_slice %arg8[%dma_start3A_244, %dma_start3A_245, %dma_start3A_246] : memref<7x128x128xf32, #tpu.memory_space<vmem>> -> memref<1x128x128xf32, #tpu.memory_space<vmem>>
    %dma_start3A_248 = tpu.memref_squeeze %dma_start3A_247 : memref<1x128x128xf32, #tpu.memory_space<vmem>> -> memref<128x128xf32, #tpu.memory_space<vmem>>
    %dma_start3A_249 = arith.constant 0 : i32
    %dma_start3A_250 = tpu.memref_slice %arg6[%select_n3A, %add3A_243, %dma_start3A_249] : memref<4x8192x128xf32, #tpu.memory_space<hbm>> -> memref<1x128x128xf32, #tpu.memory_space<hbm>>
    %dma_start3A_251 = tpu.memref_squeeze %dma_start3A_250 : memref<1x128x128xf32, #tpu.memory_space<hbm>> -> memref<128x128xf32, #tpu.memory_space<hbm>>
    %dma_start3A_252 = arith.constant 0 : i32
    %dma_start3A_253 = tpu.memref_slice %arg6[%select_n3A, %add3A_243, %dma_start3A_252] : memref<4x8192x128xf32, #tpu.memory_space<hbm>> -> memref<1x128x128xf32, #tpu.memory_space<hbm>>
    %dma_start3A_254 = tpu.memref_squeeze %dma_start3A_253 : memref<1x128x128xf32, #tpu.memory_space<hbm>> -> memref<128x128xf32, #tpu.memory_space<hbm>>
    %dma_start3A_255 = arith.constant 0 : i32
    %dma_start3A_256 = arith.constant 0 : i32
    %dma_start3A_257 = tpu.memref_slice %arg8[%dma_start3A_244, %dma_start3A_255, %dma_start3A_256] : memref<7x128x128xf32, #tpu.memory_space<vmem>> -> memref<1x128x128xf32, #tpu.memory_space<vmem>>
    %dma_start3A_258 = tpu.memref_squeeze %dma_start3A_257 : memref<1x128x128xf32, #tpu.memory_space<vmem>> -> memref<128x128xf32, #tpu.memory_space<vmem>>
    tpu.enqueue_dma source(%dma_start3A_258 : memref<128x128xf32, #tpu.memory_space<vmem>>) target(%dma_start3A_254 : memref<128x128xf32, #tpu.memory_space<hbm>>) target_semaphore(%arg19 : memref<!tpu.dma_semaphore, #tpu.memory_space<semaphore_mem>>)
    %dma_wait3A_259 = arith.constant 2 : i32
    %dma_wait3A_260 = arith.constant 0 : i32
    %dma_wait3A_261 = arith.constant 0 : i32
    %dma_wait3A_262 = tpu.memref_slice %arg8[%dma_wait3A_259, %dma_wait3A_260, %dma_wait3A_261] : memref<7x128x128xf32, #tpu.memory_space<vmem>> -> memref<1x128x128xf32, #tpu.memory_space<vmem>>
    %dma_wait3A_263 = tpu.memref_squeeze %dma_wait3A_262 : memref<1x128x128xf32, #tpu.memory_space<vmem>> -> memref<128x128xf32, #tpu.memory_space<vmem>>
    %dma_wait3A_264 = arith.constant 0 : i32
    %dma_wait3A_265 = tpu.memref_slice %arg5[%select_n3A, %add3A_191, %dma_wait3A_264] : memref<4x8192x128xf32, #tpu.memory_space<hbm>> -> memref<1x128x128xf32, #tpu.memory_space<hbm>>
    %dma_wait3A_266 = tpu.memref_squeeze %dma_wait3A_265 : memref<1x128x128xf32, #tpu.memory_space<hbm>> -> memref<128x128xf32, #tpu.memory_space<hbm>>
    %dma_wait3A_267 = arith.constant 0 : i32
    %dma_wait3A_268 = tpu.memref_slice %arg5[%select_n3A, %add3A_191, %dma_wait3A_267] : memref<4x8192x128xf32, #tpu.memory_space<hbm>> -> memref<1x128x128xf32, #tpu.memory_space<hbm>>
    %dma_wait3A_269 = tpu.memref_squeeze %dma_wait3A_268 : memref<1x128x128xf32, #tpu.memory_space<hbm>> -> memref<128x128xf32, #tpu.memory_space<hbm>>
    %dma_wait3A_270 = arith.constant 0 : i32
    %dma_wait3A_271 = arith.constant 0 : i32
    %dma_wait3A_272 = tpu.memref_slice %arg8[%dma_wait3A_259, %dma_wait3A_270, %dma_wait3A_271] : memref<7x128x128xf32, #tpu.memory_space<vmem>> -> memref<1x128x128xf32, #tpu.memory_space<vmem>>
    %dma_wait3A_273 = tpu.memref_squeeze %dma_wait3A_272 : memref<1x128x128xf32, #tpu.memory_space<vmem>> -> memref<128x128xf32, #tpu.memory_space<vmem>>
    tpu.wait_dma2 semaphore(%arg18 : memref<!tpu.dma_semaphore, #tpu.memory_space<semaphore_mem>>) src(%dma_wait3A_273 : memref<128x128xf32, #tpu.memory_space<vmem>>) dst(%dma_wait3A_269 : memref<128x128xf32, #tpu.memory_space<hbm>>)
    %dma_start3A_274 = arith.constant 2 : i32
    %dma_start3A_275 = arith.constant 0 : i32
    %dma_start3A_276 = arith.constant 0 : i32
    %dma_start3A_277 = tpu.memref_slice %arg8[%dma_start3A_274, %dma_start3A_275, %dma_start3A_276] : memref<7x128x128xf32, #tpu.memory_space<vmem>> -> memref<1x128x128xf32, #tpu.memory_space<vmem>>
    %dma_start3A_278 = tpu.memref_squeeze %dma_start3A_277 : memref<1x128x128xf32, #tpu.memory_space<vmem>> -> memref<128x128xf32, #tpu.memory_space<vmem>>
    %dma_start3A_279 = arith.constant 512 : i32
    %dma_start3A_280 = tpu.memref_slice %arg7[%dma_start3A_279] : memref<1024xi32, #tpu.memory_space<vmem>> -> memref<128xi32, #tpu.memory_space<vmem>>
    %dma_start3A_281 = arith.constant 0 : i32
    %dma_start3A_282 = arith.constant 0 : i32
    %dma_start3A_283 = tpu.memref_slice %arg4[%dma_start3A_281, %dma_start3A_282] : memref<8192x128xf32, #tpu.memory_space<hbm>> -> memref<8192x128xf32, #tpu.memory_space<hbm>>
    tpu.enqueue_indirect_dma source(%dma_start3A_283 : memref<8192x128xf32, #tpu.memory_space<hbm>>) target(%dma_start3A_278 : memref<128x128xf32, #tpu.memory_space<vmem>>) offsets(%dma_start3A_280 : memref<128xi32, #tpu.memory_space<vmem>>) semaphore(%arg11 : memref<!tpu.dma_semaphore, #tpu.memory_space<semaphore_mem>>)
    %dma_wait3A_284 = arith.constant 4 : i32
    %dma_wait3A_285 = arith.constant 0 : i32
    %dma_wait3A_286 = arith.constant 0 : i32
    %dma_wait3A_287 = tpu.memref_slice %arg8[%dma_wait3A_284, %dma_wait3A_285, %dma_wait3A_286] : memref<7x128x128xf32, #tpu.memory_space<vmem>> -> memref<1x128x128xf32, #tpu.memory_space<vmem>>
    %dma_wait3A_288 = tpu.memref_squeeze %dma_wait3A_287 : memref<1x128x128xf32, #tpu.memory_space<vmem>> -> memref<128x128xf32, #tpu.memory_space<vmem>>
    %dma_wait3A_289 = arith.constant 256 : i32
    %dma_wait3A_290 = tpu.memref_slice %arg7[%dma_wait3A_289] : memref<1024xi32, #tpu.memory_space<vmem>> -> memref<128xi32, #tpu.memory_space<vmem>>
    %dma_wait3A_291 = arith.constant 0 : i32
    %dma_wait3A_292 = arith.constant 0 : i32
    %dma_wait3A_293 = tpu.memref_slice %arg3[%dma_wait3A_291, %dma_wait3A_292] : memref<8192x128xf32, #tpu.memory_space<hbm>> -> memref<8192x128xf32, #tpu.memory_space<hbm>>
    tpu.wait_indirect_dma semaphore(%arg13 : memref<!tpu.dma_semaphore, #tpu.memory_space<semaphore_mem>>) src(%dma_wait3A_293 : memref<8192x128xf32, #tpu.memory_space<hbm>>) dst(%dma_wait3A_288 : memref<128x128xf32, #tpu.memory_space<vmem>>)
    %add3A_294 = arith.constant 256 : i32
    %add3A_295 = arith.addi %mul3A_32, %add3A_294 : i32
    %dma_start3A_296 = arith.constant 4 : i32
    %dma_start3A_297 = arith.constant 0 : i32
    %dma_start3A_298 = arith.constant 0 : i32
    %dma_start3A_299 = tpu.memref_slice %arg8[%dma_start3A_296, %dma_start3A_297, %dma_start3A_298] : memref<7x128x128xf32, #tpu.memory_space<vmem>> -> memref<1x128x128xf32, #tpu.memory_space<vmem>>
    %dma_start3A_300 = tpu.memref_squeeze %dma_start3A_299 : memref<1x128x128xf32, #tpu.memory_space<vmem>> -> memref<128x128xf32, #tpu.memory_space<vmem>>
    %dma_start3A_301 = arith.constant 0 : i32
    %dma_start3A_302 = tpu.memref_slice %arg5[%select_n3A, %add3A_295, %dma_start3A_301] : memref<4x8192x128xf32, #tpu.memory_space<hbm>> -> memref<1x128x128xf32, #tpu.memory_space<hbm>>
    %dma_start3A_303 = tpu.memref_squeeze %dma_start3A_302 : memref<1x128x128xf32, #tpu.memory_space<hbm>> -> memref<128x128xf32, #tpu.memory_space<hbm>>
    %dma_start3A_304 = arith.constant 0 : i32
    %dma_start3A_305 = tpu.memref_slice %arg5[%select_n3A, %add3A_295, %dma_start3A_304] : memref<4x8192x128xf32, #tpu.memory_space<hbm>> -> memref<1x128x128xf32, #tpu.memory_space<hbm>>
    %dma_start3A_306 = tpu.memref_squeeze %dma_start3A_305 : memref<1x128x128xf32, #tpu.memory_space<hbm>> -> memref<128x128xf32, #tpu.memory_space<hbm>>
    %dma_start3A_307 = arith.constant 0 : i32
    %dma_start3A_308 = arith.constant 0 : i32
    %dma_start3A_309 = tpu.memref_slice %arg8[%dma_start3A_296, %dma_start3A_307, %dma_start3A_308] : memref<7x128x128xf32, #tpu.memory_space<vmem>> -> memref<1x128x128xf32, #tpu.memory_space<vmem>>
    %dma_start3A_310 = tpu.memref_squeeze %dma_start3A_309 : memref<1x128x128xf32, #tpu.memory_space<vmem>> -> memref<128x128xf32, #tpu.memory_space<vmem>>
    tpu.enqueue_dma source(%dma_start3A_310 : memref<128x128xf32, #tpu.memory_space<vmem>>) target(%dma_start3A_306 : memref<128x128xf32, #tpu.memory_space<hbm>>) target_semaphore(%arg20 : memref<!tpu.dma_semaphore, #tpu.memory_space<semaphore_mem>>)
    %dma_wait3A_311 = arith.constant 3 : i32
    %dma_wait3A_312 = arith.constant 0 : i32
    %dma_wait3A_313 = arith.constant 0 : i32
    %dma_wait3A_314 = tpu.memref_slice %arg8[%dma_wait3A_311, %dma_wait3A_312, %dma_wait3A_313] : memref<7x128x128xf32, #tpu.memory_space<vmem>> -> memref<1x128x128xf32, #tpu.memory_space<vmem>>
    %dma_wait3A_315 = tpu.memref_squeeze %dma_wait3A_314 : memref<1x128x128xf32, #tpu.memory_space<vmem>> -> memref<128x128xf32, #tpu.memory_space<vmem>>
    %dma_wait3A_316 = arith.constant 0 : i32
    %dma_wait3A_317 = tpu.memref_slice %arg6[%select_n3A, %add3A_243, %dma_wait3A_316] : memref<4x8192x128xf32, #tpu.memory_space<hbm>> -> memref<1x128x128xf32, #tpu.memory_space<hbm>>
    %dma_wait3A_318 = tpu.memref_squeeze %dma_wait3A_317 : memref<1x128x128xf32, #tpu.memory_space<hbm>> -> memref<128x128xf32, #tpu.memory_space<hbm>>
    %dma_wait3A_319 = arith.constant 0 : i32
    %dma_wait3A_320 = tpu.memref_slice %arg6[%select_n3A, %add3A_243, %dma_wait3A_319] : memref<4x8192x128xf32, #tpu.memory_space<hbm>> -> memref<1x128x128xf32, #tpu.memory_space<hbm>>
    %dma_wait3A_321 = tpu.memref_squeeze %dma_wait3A_320 : memref<1x128x128xf32, #tpu.memory_space<hbm>> -> memref<128x128xf32, #tpu.memory_space<hbm>>
    %dma_wait3A_322 = arith.constant 0 : i32
    %dma_wait3A_323 = arith.constant 0 : i32
    %dma_wait3A_324 = tpu.memref_slice %arg8[%dma_wait3A_311, %dma_wait3A_322, %dma_wait3A_323] : memref<7x128x128xf32, #tpu.memory_space<vmem>> -> memref<1x128x128xf32, #tpu.memory_space<vmem>>
    %dma_wait3A_325 = tpu.memref_squeeze %dma_wait3A_324 : memref<1x128x128xf32, #tpu.memory_space<vmem>> -> memref<128x128xf32, #tpu.memory_space<vmem>>
    tpu.wait_dma2 semaphore(%arg19 : memref<!tpu.dma_semaphore, #tpu.memory_space<semaphore_mem>>) src(%dma_wait3A_325 : memref<128x128xf32, #tpu.memory_space<vmem>>) dst(%dma_wait3A_321 : memref<128x128xf32, #tpu.memory_space<hbm>>)
    %dma_start3A_326 = arith.constant 3 : i32
    %dma_start3A_327 = arith.constant 0 : i32
    %dma_start3A_328 = arith.constant 0 : i32
    %dma_start3A_329 = tpu.memref_slice %arg8[%dma_start3A_326, %dma_start3A_327, %dma_start3A_328] : memref<7x128x128xf32, #tpu.memory_space<vmem>> -> memref<1x128x128xf32, #tpu.memory_space<vmem>>
    %dma_start3A_330 = tpu.memref_squeeze %dma_start3A_329 : memref<1x128x128xf32, #tpu.memory_space<vmem>> -> memref<128x128xf32, #tpu.memory_space<vmem>>
    %dma_start3A_331 = arith.constant 640 : i32
    %dma_start3A_332 = tpu.memref_slice %arg7[%dma_start3A_331] : memref<1024xi32, #tpu.memory_space<vmem>> -> memref<128xi32, #tpu.memory_space<vmem>>
    %dma_start3A_333 = arith.constant 0 : i32
    %dma_start3A_334 = arith.constant 0 : i32
    %dma_start3A_335 = tpu.memref_slice %arg3[%dma_start3A_333, %dma_start3A_334] : memref<8192x128xf32, #tpu.memory_space<hbm>> -> memref<8192x128xf32, #tpu.memory_space<hbm>>
    tpu.enqueue_indirect_dma source(%dma_start3A_335 : memref<8192x128xf32, #tpu.memory_space<hbm>>) target(%dma_start3A_330 : memref<128x128xf32, #tpu.memory_space<vmem>>) offsets(%dma_start3A_332 : memref<128xi32, #tpu.memory_space<vmem>>) semaphore(%arg12 : memref<!tpu.dma_semaphore, #tpu.memory_space<semaphore_mem>>)
    %dma_wait3A_336 = arith.constant 5 : i32
    %dma_wait3A_337 = arith.constant 0 : i32
    %dma_wait3A_338 = arith.constant 0 : i32
    %dma_wait3A_339 = tpu.memref_slice %arg8[%dma_wait3A_336, %dma_wait3A_337, %dma_wait3A_338] : memref<7x128x128xf32, #tpu.memory_space<vmem>> -> memref<1x128x128xf32, #tpu.memory_space<vmem>>
    %dma_wait3A_340 = tpu.memref_squeeze %dma_wait3A_339 : memref<1x128x128xf32, #tpu.memory_space<vmem>> -> memref<128x128xf32, #tpu.memory_space<vmem>>
    %dma_wait3A_341 = arith.constant 256 : i32
    %dma_wait3A_342 = tpu.memref_slice %arg7[%dma_wait3A_341] : memref<1024xi32, #tpu.memory_space<vmem>> -> memref<128xi32, #tpu.memory_space<vmem>>
    %dma_wait3A_343 = arith.constant 0 : i32
    %dma_wait3A_344 = arith.constant 0 : i32
    %dma_wait3A_345 = tpu.memref_slice %arg4[%dma_wait3A_343, %dma_wait3A_344] : memref<8192x128xf32, #tpu.memory_space<hbm>> -> memref<8192x128xf32, #tpu.memory_space<hbm>>
    tpu.wait_indirect_dma semaphore(%arg14 : memref<!tpu.dma_semaphore, #tpu.memory_space<semaphore_mem>>) src(%dma_wait3A_345 : memref<8192x128xf32, #tpu.memory_space<hbm>>) dst(%dma_wait3A_340 : memref<128x128xf32, #tpu.memory_space<vmem>>)
    %add3A_346 = arith.constant 256 : i32
    %add3A_347 = arith.addi %mul3A_32, %add3A_346 : i32
    %dma_start3A_348 = arith.constant 5 : i32
    %dma_start3A_349 = arith.constant 0 : i32
    %dma_start3A_350 = arith.constant 0 : i32
    %dma_start3A_351 = tpu.memref_slice %arg8[%dma_start3A_348, %dma_start3A_349, %dma_start3A_350] : memref<7x128x128xf32, #tpu.memory_space<vmem>> -> memref<1x128x128xf32, #tpu.memory_space<vmem>>
    %dma_start3A_352 = tpu.memref_squeeze %dma_start3A_351 : memref<1x128x128xf32, #tpu.memory_space<vmem>> -> memref<128x128xf32, #tpu.memory_space<vmem>>
    %dma_start3A_353 = arith.constant 0 : i32
    %dma_start3A_354 = tpu.memref_slice %arg6[%select_n3A, %add3A_347, %dma_start3A_353] : memref<4x8192x128xf32, #tpu.memory_space<hbm>> -> memref<1x128x128xf32, #tpu.memory_space<hbm>>
    %dma_start3A_355 = tpu.memref_squeeze %dma_start3A_354 : memref<1x128x128xf32, #tpu.memory_space<hbm>> -> memref<128x128xf32, #tpu.memory_space<hbm>>
    %dma_start3A_356 = arith.constant 0 : i32
    %dma_start3A_357 = tpu.memref_slice %arg6[%select_n3A, %add3A_347, %dma_start3A_356] : memref<4x8192x128xf32, #tpu.memory_space<hbm>> -> memref<1x128x128xf32, #tpu.memory_space<hbm>>
    %dma_start3A_358 = tpu.memref_squeeze %dma_start3A_357 : memref<1x128x128xf32, #tpu.memory_space<hbm>> -> memref<128x128xf32, #tpu.memory_space<hbm>>
    %dma_start3A_359 = arith.constant 0 : i32
    %dma_start3A_360 = arith.constant 0 : i32
    %dma_start3A_361 = tpu.memref_slice %arg8[%dma_start3A_348, %dma_start3A_359, %dma_start3A_360] : memref<7x128x128xf32, #tpu.memory_space<vmem>> -> memref<1x128x128xf32, #tpu.memory_space<vmem>>
    %dma_start3A_362 = tpu.memref_squeeze %dma_start3A_361 : memref<1x128x128xf32, #tpu.memory_space<vmem>> -> memref<128x128xf32, #tpu.memory_space<vmem>>
    tpu.enqueue_dma source(%dma_start3A_362 : memref<128x128xf32, #tpu.memory_space<vmem>>) target(%dma_start3A_358 : memref<128x128xf32, #tpu.memory_space<hbm>>) target_semaphore(%arg21 : memref<!tpu.dma_semaphore, #tpu.memory_space<semaphore_mem>>)
    %dma_wait3A_363 = arith.constant 4 : i32
    %dma_wait3A_364 = arith.constant 0 : i32
    %dma_wait3A_365 = arith.constant 0 : i32
    %dma_wait3A_366 = tpu.memref_slice %arg8[%dma_wait3A_363, %dma_wait3A_364, %dma_wait3A_365] : memref<7x128x128xf32, #tpu.memory_space<vmem>> -> memref<1x128x128xf32, #tpu.memory_space<vmem>>
    %dma_wait3A_367 = tpu.memref_squeeze %dma_wait3A_366 : memref<1x128x128xf32, #tpu.memory_space<vmem>> -> memref<128x128xf32, #tpu.memory_space<vmem>>
    %dma_wait3A_368 = arith.constant 0 : i32
    %dma_wait3A_369 = tpu.memref_slice %arg5[%select_n3A, %add3A_295, %dma_wait3A_368] : memref<4x8192x128xf32, #tpu.memory_space<hbm>> -> memref<1x128x128xf32, #tpu.memory_space<hbm>>
    %dma_wait3A_370 = tpu.memref_squeeze %dma_wait3A_369 : memref<1x128x128xf32, #tpu.memory_space<hbm>> -> memref<128x128xf32, #tpu.memory_space<hbm>>
    %dma_wait3A_371 = arith.constant 0 : i32
    %dma_wait3A_372 = tpu.memref_slice %arg5[%select_n3A, %add3A_295, %dma_wait3A_371] : memref<4x8192x128xf32, #tpu.memory_space<hbm>> -> memref<1x128x128xf32, #tpu.memory_space<hbm>>
    %dma_wait3A_373 = tpu.memref_squeeze %dma_wait3A_372 : memref<1x128x128xf32, #tpu.memory_space<hbm>> -> memref<128x128xf32, #tpu.memory_space<hbm>>
    %dma_wait3A_374 = arith.constant 0 : i32
    %dma_wait3A_375 = arith.constant 0 : i32
    %dma_wait3A_376 = tpu.memref_slice %arg8[%dma_wait3A_363, %dma_wait3A_374, %dma_wait3A_375] : memref<7x128x128xf32, #tpu.memory_space<vmem>> -> memref<1x128x128xf32, #tpu.memory_space<vmem>>
    %dma_wait3A_377 = tpu.memref_squeeze %dma_wait3A_376 : memref<1x128x128xf32, #tpu.memory_space<vmem>> -> memref<128x128xf32, #tpu.memory_space<vmem>>
    tpu.wait_dma2 semaphore(%arg20 : memref<!tpu.dma_semaphore, #tpu.memory_space<semaphore_mem>>) src(%dma_wait3A_377 : memref<128x128xf32, #tpu.memory_space<vmem>>) dst(%dma_wait3A_373 : memref<128x128xf32, #tpu.memory_space<hbm>>)
    %dma_start3A_378 = arith.constant 4 : i32
    %dma_start3A_379 = arith.constant 0 : i32
    %dma_start3A_380 = arith.constant 0 : i32
    %dma_start3A_381 = tpu.memref_slice %arg8[%dma_start3A_378, %dma_start3A_379, %dma_start3A_380] : memref<7x128x128xf32, #tpu.memory_space<vmem>> -> memref<1x128x128xf32, #tpu.memory_space<vmem>>
    %dma_start3A_382 = tpu.memref_squeeze %dma_start3A_381 : memref<1x128x128xf32, #tpu.memory_space<vmem>> -> memref<128x128xf32, #tpu.memory_space<vmem>>
    %dma_start3A_383 = arith.constant 640 : i32
    %dma_start3A_384 = tpu.memref_slice %arg7[%dma_start3A_383] : memref<1024xi32, #tpu.memory_space<vmem>> -> memref<128xi32, #tpu.memory_space<vmem>>
    %dma_start3A_385 = arith.constant 0 : i32
    %dma_start3A_386 = arith.constant 0 : i32
    %dma_start3A_387 = tpu.memref_slice %arg4[%dma_start3A_385, %dma_start3A_386] : memref<8192x128xf32, #tpu.memory_space<hbm>> -> memref<8192x128xf32, #tpu.memory_space<hbm>>
    tpu.enqueue_indirect_dma source(%dma_start3A_387 : memref<8192x128xf32, #tpu.memory_space<hbm>>) target(%dma_start3A_382 : memref<128x128xf32, #tpu.memory_space<vmem>>) offsets(%dma_start3A_384 : memref<128xi32, #tpu.memory_space<vmem>>) semaphore(%arg13 : memref<!tpu.dma_semaphore, #tpu.memory_space<semaphore_mem>>)
    %dma_wait3A_388 = arith.constant 6 : i32
    %dma_wait3A_389 = arith.constant 0 : i32
    %dma_wait3A_390 = arith.constant 0 : i32
    %dma_wait3A_391 = tpu.memref_slice %arg8[%dma_wait3A_388, %dma_wait3A_389, %dma_wait3A_390] : memref<7x128x128xf32, #tpu.memory_space<vmem>> -> memref<1x128x128xf32, #tpu.memory_space<vmem>>
    %dma_wait3A_392 = tpu.memref_squeeze %dma_wait3A_391 : memref<1x128x128xf32, #tpu.memory_space<vmem>> -> memref<128x128xf32, #tpu.memory_space<vmem>>
    %dma_wait3A_393 = arith.constant 384 : i32
    %dma_wait3A_394 = tpu.memref_slice %arg7[%dma_wait3A_393] : memref<1024xi32, #tpu.memory_space<vmem>> -> memref<128xi32, #tpu.memory_space<vmem>>
    %dma_wait3A_395 = arith.constant 0 : i32
    %dma_wait3A_396 = arith.constant 0 : i32
    %dma_wait3A_397 = tpu.memref_slice %arg3[%dma_wait3A_395, %dma_wait3A_396] : memref<8192x128xf32, #tpu.memory_space<hbm>> -> memref<8192x128xf32, #tpu.memory_space<hbm>>
    tpu.wait_indirect_dma semaphore(%arg15 : memref<!tpu.dma_semaphore, #tpu.memory_space<semaphore_mem>>) src(%dma_wait3A_397 : memref<8192x128xf32, #tpu.memory_space<hbm>>) dst(%dma_wait3A_392 : memref<128x128xf32, #tpu.memory_space<vmem>>)
    %add3A_398 = arith.constant 384 : i32
    %add3A_399 = arith.addi %mul3A_32, %add3A_398 : i32
    %dma_start3A_400 = arith.constant 6 : i32
    %dma_start3A_401 = arith.constant 0 : i32
    %dma_start3A_402 = arith.constant 0 : i32
    %dma_start3A_403 = tpu.memref_slice %arg8[%dma_start3A_400, %dma_start3A_401, %dma_start3A_402] : memref<7x128x128xf32, #tpu.memory_space<vmem>> -> memref<1x128x128xf32, #tpu.memory_space<vmem>>
    %dma_start3A_404 = tpu.memref_squeeze %dma_start3A_403 : memref<1x128x128xf32, #tpu.memory_space<vmem>> -> memref<128x128xf32, #tpu.memory_space<vmem>>
    %dma_start3A_405 = arith.constant 0 : i32
    %dma_start3A_406 = tpu.memref_slice %arg5[%select_n3A, %add3A_399, %dma_start3A_405] : memref<4x8192x128xf32, #tpu.memory_space<hbm>> -> memref<1x128x128xf32, #tpu.memory_space<hbm>>
    %dma_start3A_407 = tpu.memref_squeeze %dma_start3A_406 : memref<1x128x128xf32, #tpu.memory_space<hbm>> -> memref<128x128xf32, #tpu.memory_space<hbm>>
    %dma_start3A_408 = arith.constant 0 : i32
    %dma_start3A_409 = tpu.memref_slice %arg5[%select_n3A, %add3A_399, %dma_start3A_408] : memref<4x8192x128xf32, #tpu.memory_space<hbm>> -> memref<1x128x128xf32, #tpu.memory_space<hbm>>
    %dma_start3A_410 = tpu.memref_squeeze %dma_start3A_409 : memref<1x128x128xf32, #tpu.memory_space<hbm>> -> memref<128x128xf32, #tpu.memory_space<hbm>>
    %dma_start3A_411 = arith.constant 0 : i32
    %dma_start3A_412 = arith.constant 0 : i32
    %dma_start3A_413 = tpu.memref_slice %arg8[%dma_start3A_400, %dma_start3A_411, %dma_start3A_412] : memref<7x128x128xf32, #tpu.memory_space<vmem>> -> memref<1x128x128xf32, #tpu.memory_space<vmem>>
    %dma_start3A_414 = tpu.memref_squeeze %dma_start3A_413 : memref<1x128x128xf32, #tpu.memory_space<vmem>> -> memref<128x128xf32, #tpu.memory_space<vmem>>
    tpu.enqueue_dma source(%dma_start3A_414 : memref<128x128xf32, #tpu.memory_space<vmem>>) target(%dma_start3A_410 : memref<128x128xf32, #tpu.memory_space<hbm>>) target_semaphore(%arg22 : memref<!tpu.dma_semaphore, #tpu.memory_space<semaphore_mem>>)
    %dma_wait3A_415 = arith.constant 5 : i32
    %dma_wait3A_416 = arith.constant 0 : i32
    %dma_wait3A_417 = arith.constant 0 : i32
    %dma_wait3A_418 = tpu.memref_slice %arg8[%dma_wait3A_415, %dma_wait3A_416, %dma_wait3A_417] : memref<7x128x128xf32, #tpu.memory_space<vmem>> -> memref<1x128x128xf32, #tpu.memory_space<vmem>>
    %dma_wait3A_419 = tpu.memref_squeeze %dma_wait3A_418 : memref<1x128x128xf32, #tpu.memory_space<vmem>> -> memref<128x128xf32, #tpu.memory_space<vmem>>
    %dma_wait3A_420 = arith.constant 0 : i32
    %dma_wait3A_421 = tpu.memref_slice %arg6[%select_n3A, %add3A_347, %dma_wait3A_420] : memref<4x8192x128xf32, #tpu.memory_space<hbm>> -> memref<1x128x128xf32, #tpu.memory_space<hbm>>
    %dma_wait3A_422 = tpu.memref_squeeze %dma_wait3A_421 : memref<1x128x128xf32, #tpu.memory_space<hbm>> -> memref<128x128xf32, #tpu.memory_space<hbm>>
    %dma_wait3A_423 = arith.constant 0 : i32
    %dma_wait3A_424 = tpu.memref_slice %arg6[%select_n3A, %add3A_347, %dma_wait3A_423] : memref<4x8192x128xf32, #tpu.memory_space<hbm>> -> memref<1x128x128xf32, #tpu.memory_space<hbm>>
    %dma_wait3A_425 = tpu.memref_squeeze %dma_wait3A_424 : memref<1x128x128xf32, #tpu.memory_space<hbm>> -> memref<128x128xf32, #tpu.memory_space<hbm>>
    %dma_wait3A_426 = arith.constant 0 : i32
    %dma_wait3A_427 = arith.constant 0 : i32
    %dma_wait3A_428 = tpu.memref_slice %arg8[%dma_wait3A_415, %dma_wait3A_426, %dma_wait3A_427] : memref<7x128x128xf32, #tpu.memory_space<vmem>> -> memref<1x128x128xf32, #tpu.memory_space<vmem>>
    %dma_wait3A_429 = tpu.memref_squeeze %dma_wait3A_428 : memref<1x128x128xf32, #tpu.memory_space<vmem>> -> memref<128x128xf32, #tpu.memory_space<vmem>>
    tpu.wait_dma2 semaphore(%arg21 : memref<!tpu.dma_semaphore, #tpu.memory_space<semaphore_mem>>) src(%dma_wait3A_429 : memref<128x128xf32, #tpu.memory_space<vmem>>) dst(%dma_wait3A_425 : memref<128x128xf32, #tpu.memory_space<hbm>>)
    %dma_start3A_430 = arith.constant 5 : i32
    %dma_start3A_431 = arith.constant 0 : i32
    %dma_start3A_432 = arith.constant 0 : i32
    %dma_start3A_433 = tpu.memref_slice %arg8[%dma_start3A_430, %dma_start3A_431, %dma_start3A_432] : memref<7x128x128xf32, #tpu.memory_space<vmem>> -> memref<1x128x128xf32, #tpu.memory_space<vmem>>
    %dma_start3A_434 = tpu.memref_squeeze %dma_start3A_433 : memref<1x128x128xf32, #tpu.memory_space<vmem>> -> memref<128x128xf32, #tpu.memory_space<vmem>>
    %dma_start3A_435 = arith.constant 768 : i32
    %dma_start3A_436 = tpu.memref_slice %arg7[%dma_start3A_435] : memref<1024xi32, #tpu.memory_space<vmem>> -> memref<128xi32, #tpu.memory_space<vmem>>
    %dma_start3A_437 = arith.constant 0 : i32
    %dma_start3A_438 = arith.constant 0 : i32
    %dma_start3A_439 = tpu.memref_slice %arg3[%dma_start3A_437, %dma_start3A_438] : memref<8192x128xf32, #tpu.memory_space<hbm>> -> memref<8192x128xf32, #tpu.memory_space<hbm>>
    tpu.enqueue_indirect_dma source(%dma_start3A_439 : memref<8192x128xf32, #tpu.memory_space<hbm>>) target(%dma_start3A_434 : memref<128x128xf32, #tpu.memory_space<vmem>>) offsets(%dma_start3A_436 : memref<128xi32, #tpu.memory_space<vmem>>) semaphore(%arg14 : memref<!tpu.dma_semaphore, #tpu.memory_space<semaphore_mem>>)
    %dma_wait3A_440 = arith.constant 0 : i32
    %dma_wait3A_441 = arith.constant 0 : i32
    %dma_wait3A_442 = arith.constant 0 : i32
    %dma_wait3A_443 = tpu.memref_slice %arg8[%dma_wait3A_440, %dma_wait3A_441, %dma_wait3A_442] : memref<7x128x128xf32, #tpu.memory_space<vmem>> -> memref<1x128x128xf32, #tpu.memory_space<vmem>>
    %dma_wait3A_444 = tpu.memref_squeeze %dma_wait3A_443 : memref<1x128x128xf32, #tpu.memory_space<vmem>> -> memref<128x128xf32, #tpu.memory_space<vmem>>
    %dma_wait3A_445 = arith.constant 384 : i32
    %dma_wait3A_446 = tpu.memref_slice %arg7[%dma_wait3A_445] : memref<1024xi32, #tpu.memory_space<vmem>> -> memref<128xi32, #tpu.memory_space<vmem>>
    %dma_wait3A_447 = arith.constant 0 : i32
    %dma_wait3A_448 = arith.constant 0 : i32
    %dma_wait3A_449 = tpu.memref_slice %arg4[%dma_wait3A_447, %dma_wait3A_448] : memref<8192x128xf32, #tpu.memory_space<hbm>> -> memref<8192x128xf32, #tpu.memory_space<hbm>>
    tpu.wait_indirect_dma semaphore(%arg9 : memref<!tpu.dma_semaphore, #tpu.memory_space<semaphore_mem>>) src(%dma_wait3A_449 : memref<8192x128xf32, #tpu.memory_space<hbm>>) dst(%dma_wait3A_444 : memref<128x128xf32, #tpu.memory_space<vmem>>)
    %add3A_450 = arith.constant 384 : i32
    %add3A_451 = arith.addi %mul3A_32, %add3A_450 : i32
    %dma_start3A_452 = arith.constant 0 : i32
    %dma_start3A_453 = arith.constant 0 : i32
    %dma_start3A_454 = arith.constant 0 : i32
    %dma_start3A_455 = tpu.memref_slice %arg8[%dma_start3A_452, %dma_start3A_453, %dma_start3A_454] : memref<7x128x128xf32, #tpu.memory_space<vmem>> -> memref<1x128x128xf32, #tpu.memory_space<vmem>>
    %dma_start3A_456 = tpu.memref_squeeze %dma_start3A_455 : memref<1x128x128xf32, #tpu.memory_space<vmem>> -> memref<128x128xf32, #tpu.memory_space<vmem>>
    %dma_start3A_457 = arith.constant 0 : i32
    %dma_start3A_458 = tpu.memref_slice %arg6[%select_n3A, %add3A_451, %dma_start3A_457] : memref<4x8192x128xf32, #tpu.memory_space<hbm>> -> memref<1x128x128xf32, #tpu.memory_space<hbm>>
    %dma_start3A_459 = tpu.memref_squeeze %dma_start3A_458 : memref<1x128x128xf32, #tpu.memory_space<hbm>> -> memref<128x128xf32, #tpu.memory_space<hbm>>
    %dma_start3A_460 = arith.constant 0 : i32
    %dma_start3A_461 = tpu.memref_slice %arg6[%select_n3A, %add3A_451, %dma_start3A_460] : memref<4x8192x128xf32, #tpu.memory_space<hbm>> -> memref<1x128x128xf32, #tpu.memory_space<hbm>>
    %dma_start3A_462 = tpu.memref_squeeze %dma_start3A_461 : memref<1x128x128xf32, #tpu.memory_space<hbm>> -> memref<128x128xf32, #tpu.memory_space<hbm>>
    %dma_start3A_463 = arith.constant 0 : i32
    %dma_start3A_464 = arith.constant 0 : i32
    %dma_start3A_465 = tpu.memref_slice %arg8[%dma_start3A_452, %dma_start3A_463, %dma_start3A_464] : memref<7x128x128xf32, #tpu.memory_space<vmem>> -> memref<1x128x128xf32, #tpu.memory_space<vmem>>
    %dma_start3A_466 = tpu.memref_squeeze %dma_start3A_465 : memref<1x128x128xf32, #tpu.memory_space<vmem>> -> memref<128x128xf32, #tpu.memory_space<vmem>>
    tpu.enqueue_dma source(%dma_start3A_466 : memref<128x128xf32, #tpu.memory_space<vmem>>) target(%dma_start3A_462 : memref<128x128xf32, #tpu.memory_space<hbm>>) target_semaphore(%arg16 : memref<!tpu.dma_semaphore, #tpu.memory_space<semaphore_mem>>)
    %dma_wait3A_467 = arith.constant 6 : i32
    %dma_wait3A_468 = arith.constant 0 : i32
    %dma_wait3A_469 = arith.constant 0 : i32
    %dma_wait3A_470 = tpu.memref_slice %arg8[%dma_wait3A_467, %dma_wait3A_468, %dma_wait3A_469] : memref<7x128x128xf32, #tpu.memory_space<vmem>> -> memref<1x128x128xf32, #tpu.memory_space<vmem>>
    %dma_wait3A_471 = tpu.memref_squeeze %dma_wait3A_470 : memref<1x128x128xf32, #tpu.memory_space<vmem>> -> memref<128x128xf32, #tpu.memory_space<vmem>>
    %dma_wait3A_472 = arith.constant 0 : i32
    %dma_wait3A_473 = tpu.memref_slice %arg5[%select_n3A, %add3A_399, %dma_wait3A_472] : memref<4x8192x128xf32, #tpu.memory_space<hbm>> -> memref<1x128x128xf32, #tpu.memory_space<hbm>>
    %dma_wait3A_474 = tpu.memref_squeeze %dma_wait3A_473 : memref<1x128x128xf32, #tpu.memory_space<hbm>> -> memref<128x128xf32, #tpu.memory_space<hbm>>
    %dma_wait3A_475 = arith.constant 0 : i32
    %dma_wait3A_476 = tpu.memref_slice %arg5[%select_n3A, %add3A_399, %dma_wait3A_475] : memref<4x8192x128xf32, #tpu.memory_space<hbm>> -> memref<1x128x128xf32, #tpu.memory_space<hbm>>
    %dma_wait3A_477 = tpu.memref_squeeze %dma_wait3A_476 : memref<1x128x128xf32, #tpu.memory_space<hbm>> -> memref<128x128xf32, #tpu.memory_space<hbm>>
    %dma_wait3A_478 = arith.constant 0 : i32
    %dma_wait3A_479 = arith.constant 0 : i32
    %dma_wait3A_480 = tpu.memref_slice %arg8[%dma_wait3A_467, %dma_wait3A_478, %dma_wait3A_479] : memref<7x128x128xf32, #tpu.memory_space<vmem>> -> memref<1x128x128xf32, #tpu.memory_space<vmem>>
    %dma_wait3A_481 = tpu.memref_squeeze %dma_wait3A_480 : memref<1x128x128xf32, #tpu.memory_space<vmem>> -> memref<128x128xf32, #tpu.memory_space<vmem>>
    tpu.wait_dma2 semaphore(%arg22 : memref<!tpu.dma_semaphore, #tpu.memory_space<semaphore_mem>>) src(%dma_wait3A_481 : memref<128x128xf32, #tpu.memory_space<vmem>>) dst(%dma_wait3A_477 : memref<128x128xf32, #tpu.memory_space<hbm>>)
    %dma_start3A_482 = arith.constant 6 : i32
    %dma_start3A_483 = arith.constant 0 : i32
    %dma_start3A_484 = arith.constant 0 : i32
    %dma_start3A_485 = tpu.memref_slice %arg8[%dma_start3A_482, %dma_start3A_483, %dma_start3A_484] : memref<7x128x128xf32, #tpu.memory_space<vmem>> -> memref<1x128x128xf32, #tpu.memory_space<vmem>>
    %dma_start3A_486 = tpu.memref_squeeze %dma_start3A_485 : memref<1x128x128xf32, #tpu.memory_space<vmem>> -> memref<128x128xf32, #tpu.memory_space<vmem>>
    %dma_start3A_487 = arith.constant 768 : i32
    %dma_start3A_488 = tpu.memref_slice %arg7[%dma_start3A_487] : memref<1024xi32, #tpu.memory_space<vmem>> -> memref<128xi32, #tpu.memory_space<vmem>>
    %dma_start3A_489 = arith.constant 0 : i32
    %dma_start3A_490 = arith.constant 0 : i32
    %dma_start3A_491 = tpu.memref_slice %arg4[%dma_start3A_489, %dma_start3A_490] : memref<8192x128xf32, #tpu.memory_space<hbm>> -> memref<8192x128xf32, #tpu.memory_space<hbm>>
    tpu.enqueue_indirect_dma source(%dma_start3A_491 : memref<8192x128xf32, #tpu.memory_space<hbm>>) target(%dma_start3A_486 : memref<128x128xf32, #tpu.memory_space<vmem>>) offsets(%dma_start3A_488 : memref<128xi32, #tpu.memory_space<vmem>>) semaphore(%arg15 : memref<!tpu.dma_semaphore, #tpu.memory_space<semaphore_mem>>)
    %dma_wait3A_492 = arith.constant 1 : i32
    %dma_wait3A_493 = arith.constant 0 : i32
    %dma_wait3A_494 = arith.constant 0 : i32
    %dma_wait3A_495 = tpu.memref_slice %arg8[%dma_wait3A_492, %dma_wait3A_493, %dma_wait3A_494] : memref<7x128x128xf32, #tpu.memory_space<vmem>> -> memref<1x128x128xf32, #tpu.memory_space<vmem>>
    %dma_wait3A_496 = tpu.memref_squeeze %dma_wait3A_495 : memref<1x128x128xf32, #tpu.memory_space<vmem>> -> memref<128x128xf32, #tpu.memory_space<vmem>>
    %dma_wait3A_497 = arith.constant 512 : i32
    %dma_wait3A_498 = tpu.memref_slice %arg7[%dma_wait3A_497] : memref<1024xi32, #tpu.memory_space<vmem>> -> memref<128xi32, #tpu.memory_space<vmem>>
    %dma_wait3A_499 = arith.constant 0 : i32
    %dma_wait3A_500 = arith.constant 0 : i32
    %dma_wait3A_501 = tpu.memref_slice %arg3[%dma_wait3A_499, %dma_wait3A_500] : memref<8192x128xf32, #tpu.memory_space<hbm>> -> memref<8192x128xf32, #tpu.memory_space<hbm>>
    tpu.wait_indirect_dma semaphore(%arg10 : memref<!tpu.dma_semaphore, #tpu.memory_space<semaphore_mem>>) src(%dma_wait3A_501 : memref<8192x128xf32, #tpu.memory_space<hbm>>) dst(%dma_wait3A_496 : memref<128x128xf32, #tpu.memory_space<vmem>>)
    %add3A_502 = arith.constant 512 : i32
    %add3A_503 = arith.addi %mul3A_32, %add3A_502 : i32
    %dma_start3A_504 = arith.constant 1 : i32
    %dma_start3A_505 = arith.constant 0 : i32
    %dma_start3A_506 = arith.constant 0 : i32
    %dma_start3A_507 = tpu.memref_slice %arg8[%dma_start3A_504, %dma_start3A_505, %dma_start3A_506] : memref<7x128x128xf32, #tpu.memory_space<vmem>> -> memref<1x128x128xf32, #tpu.memory_space<vmem>>
    %dma_start3A_508 = tpu.memref_squeeze %dma_start3A_507 : memref<1x128x128xf32, #tpu.memory_space<vmem>> -> memref<128x128xf32, #tpu.memory_space<vmem>>
    %dma_start3A_509 = arith.constant 0 : i32
    %dma_start3A_510 = tpu.memref_slice %arg5[%select_n3A, %add3A_503, %dma_start3A_509] : memref<4x8192x128xf32, #tpu.memory_space<hbm>> -> memref<1x128x128xf32, #tpu.memory_space<hbm>>
    %dma_start3A_511 = tpu.memref_squeeze %dma_start3A_510 : memref<1x128x128xf32, #tpu.memory_space<hbm>> -> memref<128x128xf32, #tpu.memory_space<hbm>>
    %dma_start3A_512 = arith.constant 0 : i32
    %dma_start3A_513 = tpu.memref_slice %arg5[%select_n3A, %add3A_503, %dma_start3A_512] : memref<4x8192x128xf32, #tpu.memory_space<hbm>> -> memref<1x128x128xf32, #tpu.memory_space<hbm>>
    %dma_start3A_514 = tpu.memref_squeeze %dma_start3A_513 : memref<1x128x128xf32, #tpu.memory_space<hbm>> -> memref<128x128xf32, #tpu.memory_space<hbm>>
    %dma_start3A_515 = arith.constant 0 : i32
    %dma_start3A_516 = arith.constant 0 : i32
    %dma_start3A_517 = tpu.memref_slice %arg8[%dma_start3A_504, %dma_start3A_515, %dma_start3A_516] : memref<7x128x128xf32, #tpu.memory_space<vmem>> -> memref<1x128x128xf32, #tpu.memory_space<vmem>>
    %dma_start3A_518 = tpu.memref_squeeze %dma_start3A_517 : memref<1x128x128xf32, #tpu.memory_space<vmem>> -> memref<128x128xf32, #tpu.memory_space<vmem>>
    tpu.enqueue_dma source(%dma_start3A_518 : memref<128x128xf32, #tpu.memory_space<vmem>>) target(%dma_start3A_514 : memref<128x128xf32, #tpu.memory_space<hbm>>) target_semaphore(%arg17 : memref<!tpu.dma_semaphore, #tpu.memory_space<semaphore_mem>>)
    %dma_wait3A_519 = arith.constant 0 : i32
    %dma_wait3A_520 = arith.constant 0 : i32
    %dma_wait3A_521 = arith.constant 0 : i32
    %dma_wait3A_522 = tpu.memref_slice %arg8[%dma_wait3A_519, %dma_wait3A_520, %dma_wait3A_521] : memref<7x128x128xf32, #tpu.memory_space<vmem>> -> memref<1x128x128xf32, #tpu.memory_space<vmem>>
    %dma_wait3A_523 = tpu.memref_squeeze %dma_wait3A_522 : memref<1x128x128xf32, #tpu.memory_space<vmem>> -> memref<128x128xf32, #tpu.memory_space<vmem>>
    %dma_wait3A_524 = arith.constant 0 : i32
    %dma_wait3A_525 = tpu.memref_slice %arg6[%select_n3A, %add3A_451, %dma_wait3A_524] : memref<4x8192x128xf32, #tpu.memory_space<hbm>> -> memref<1x128x128xf32, #tpu.memory_space<hbm>>
    %dma_wait3A_526 = tpu.memref_squeeze %dma_wait3A_525 : memref<1x128x128xf32, #tpu.memory_space<hbm>> -> memref<128x128xf32, #tpu.memory_space<hbm>>
    %dma_wait3A_527 = arith.constant 0 : i32
    %dma_wait3A_528 = tpu.memref_slice %arg6[%select_n3A, %add3A_451, %dma_wait3A_527] : memref<4x8192x128xf32, #tpu.memory_space<hbm>> -> memref<1x128x128xf32, #tpu.memory_space<hbm>>
    %dma_wait3A_529 = tpu.memref_squeeze %dma_wait3A_528 : memref<1x128x128xf32, #tpu.memory_space<hbm>> -> memref<128x128xf32, #tpu.memory_space<hbm>>
    %dma_wait3A_530 = arith.constant 0 : i32
    %dma_wait3A_531 = arith.constant 0 : i32
    %dma_wait3A_532 = tpu.memref_slice %arg8[%dma_wait3A_519, %dma_wait3A_530, %dma_wait3A_531] : memref<7x128x128xf32, #tpu.memory_space<vmem>> -> memref<1x128x128xf32, #tpu.memory_space<vmem>>
    %dma_wait3A_533 = tpu.memref_squeeze %dma_wait3A_532 : memref<1x128x128xf32, #tpu.memory_space<vmem>> -> memref<128x128xf32, #tpu.memory_space<vmem>>
    tpu.wait_dma2 semaphore(%arg16 : memref<!tpu.dma_semaphore, #tpu.memory_space<semaphore_mem>>) src(%dma_wait3A_533 : memref<128x128xf32, #tpu.memory_space<vmem>>) dst(%dma_wait3A_529 : memref<128x128xf32, #tpu.memory_space<hbm>>)
    %dma_start3A_534 = arith.constant 0 : i32
    %dma_start3A_535 = arith.constant 0 : i32
    %dma_start3A_536 = arith.constant 0 : i32
    %dma_start3A_537 = tpu.memref_slice %arg8[%dma_start3A_534, %dma_start3A_535, %dma_start3A_536] : memref<7x128x128xf32, #tpu.memory_space<vmem>> -> memref<1x128x128xf32, #tpu.memory_space<vmem>>
    %dma_start3A_538 = tpu.memref_squeeze %dma_start3A_537 : memref<1x128x128xf32, #tpu.memory_space<vmem>> -> memref<128x128xf32, #tpu.memory_space<vmem>>
    %dma_start3A_539 = arith.constant 896 : i32
    %dma_start3A_540 = tpu.memref_slice %arg7[%dma_start3A_539] : memref<1024xi32, #tpu.memory_space<vmem>> -> memref<128xi32, #tpu.memory_space<vmem>>
    %dma_start3A_541 = arith.constant 0 : i32
    %dma_start3A_542 = arith.constant 0 : i32
    %dma_start3A_543 = tpu.memref_slice %arg3[%dma_start3A_541, %dma_start3A_542] : memref<8192x128xf32, #tpu.memory_space<hbm>> -> memref<8192x128xf32, #tpu.memory_space<hbm>>
    tpu.enqueue_indirect_dma source(%dma_start3A_543 : memref<8192x128xf32, #tpu.memory_space<hbm>>) target(%dma_start3A_538 : memref<128x128xf32, #tpu.memory_space<vmem>>) offsets(%dma_start3A_540 : memref<128xi32, #tpu.memory_space<vmem>>) semaphore(%arg9 : memref<!tpu.dma_semaphore, #tpu.memory_space<semaphore_mem>>)
    %dma_wait3A_544 = arith.constant 2 : i32
    %dma_wait3A_545 = arith.constant 0 : i32
    %dma_wait3A_546 = arith.constant 0 : i32
    %dma_wait3A_547 = tpu.memref_slice %arg8[%dma_wait3A_544, %dma_wait3A_545, %dma_wait3A_546] : memref<7x128x128xf32, #tpu.memory_space<vmem>> -> memref<1x128x128xf32, #tpu.memory_space<vmem>>
    %dma_wait3A_548 = tpu.memref_squeeze %dma_wait3A_547 : memref<1x128x128xf32, #tpu.memory_space<vmem>> -> memref<128x128xf32, #tpu.memory_space<vmem>>
    %dma_wait3A_549 = arith.constant 512 : i32
    %dma_wait3A_550 = tpu.memref_slice %arg7[%dma_wait3A_549] : memref<1024xi32, #tpu.memory_space<vmem>> -> memref<128xi32, #tpu.memory_space<vmem>>
    %dma_wait3A_551 = arith.constant 0 : i32
    %dma_wait3A_552 = arith.constant 0 : i32
    %dma_wait3A_553 = tpu.memref_slice %arg4[%dma_wait3A_551, %dma_wait3A_552] : memref<8192x128xf32, #tpu.memory_space<hbm>> -> memref<8192x128xf32, #tpu.memory_space<hbm>>
    tpu.wait_indirect_dma semaphore(%arg11 : memref<!tpu.dma_semaphore, #tpu.memory_space<semaphore_mem>>) src(%dma_wait3A_553 : memref<8192x128xf32, #tpu.memory_space<hbm>>) dst(%dma_wait3A_548 : memref<128x128xf32, #tpu.memory_space<vmem>>)
    %add3A_554 = arith.constant 512 : i32
    %add3A_555 = arith.addi %mul3A_32, %add3A_554 : i32
    %dma_start3A_556 = arith.constant 2 : i32
    %dma_start3A_557 = arith.constant 0 : i32
    %dma_start3A_558 = arith.constant 0 : i32
    %dma_start3A_559 = tpu.memref_slice %arg8[%dma_start3A_556, %dma_start3A_557, %dma_start3A_558] : memref<7x128x128xf32, #tpu.memory_space<vmem>> -> memref<1x128x128xf32, #tpu.memory_space<vmem>>
    %dma_start3A_560 = tpu.memref_squeeze %dma_start3A_559 : memref<1x128x128xf32, #tpu.memory_space<vmem>> -> memref<128x128xf32, #tpu.memory_space<vmem>>
    %dma_start3A_561 = arith.constant 0 : i32
    %dma_start3A_562 = tpu.memref_slice %arg6[%select_n3A, %add3A_555, %dma_start3A_561] : memref<4x8192x128xf32, #tpu.memory_space<hbm>> -> memref<1x128x128xf32, #tpu.memory_space<hbm>>
    %dma_start3A_563 = tpu.memref_squeeze %dma_start3A_562 : memref<1x128x128xf32, #tpu.memory_space<hbm>> -> memref<128x128xf32, #tpu.memory_space<hbm>>
    %dma_start3A_564 = arith.constant 0 : i32
    %dma_start3A_565 = tpu.memref_slice %arg6[%select_n3A, %add3A_555, %dma_start3A_564] : memref<4x8192x128xf32, #tpu.memory_space<hbm>> -> memref<1x128x128xf32, #tpu.memory_space<hbm>>
    %dma_start3A_566 = tpu.memref_squeeze %dma_start3A_565 : memref<1x128x128xf32, #tpu.memory_space<hbm>> -> memref<128x128xf32, #tpu.memory_space<hbm>>
    %dma_start3A_567 = arith.constant 0 : i32
    %dma_start3A_568 = arith.constant 0 : i32
    %dma_start3A_569 = tpu.memref_slice %arg8[%dma_start3A_556, %dma_start3A_567, %dma_start3A_568] : memref<7x128x128xf32, #tpu.memory_space<vmem>> -> memref<1x128x128xf32, #tpu.memory_space<vmem>>
    %dma_start3A_570 = tpu.memref_squeeze %dma_start3A_569 : memref<1x128x128xf32, #tpu.memory_space<vmem>> -> memref<128x128xf32, #tpu.memory_space<vmem>>
    tpu.enqueue_dma source(%dma_start3A_570 : memref<128x128xf32, #tpu.memory_space<vmem>>) target(%dma_start3A_566 : memref<128x128xf32, #tpu.memory_space<hbm>>) target_semaphore(%arg18 : memref<!tpu.dma_semaphore, #tpu.memory_space<semaphore_mem>>)
    %dma_wait3A_571 = arith.constant 1 : i32
    %dma_wait3A_572 = arith.constant 0 : i32
    %dma_wait3A_573 = arith.constant 0 : i32
    %dma_wait3A_574 = tpu.memref_slice %arg8[%dma_wait3A_571, %dma_wait3A_572, %dma_wait3A_573] : memref<7x128x128xf32, #tpu.memory_space<vmem>> -> memref<1x128x128xf32, #tpu.memory_space<vmem>>
    %dma_wait3A_575 = tpu.memref_squeeze %dma_wait3A_574 : memref<1x128x128xf32, #tpu.memory_space<vmem>> -> memref<128x128xf32, #tpu.memory_space<vmem>>
    %dma_wait3A_576 = arith.constant 0 : i32
    %dma_wait3A_577 = tpu.memref_slice %arg5[%select_n3A, %add3A_503, %dma_wait3A_576] : memref<4x8192x128xf32, #tpu.memory_space<hbm>> -> memref<1x128x128xf32, #tpu.memory_space<hbm>>
    %dma_wait3A_578 = tpu.memref_squeeze %dma_wait3A_577 : memref<1x128x128xf32, #tpu.memory_space<hbm>> -> memref<128x128xf32, #tpu.memory_space<hbm>>
    %dma_wait3A_579 = arith.constant 0 : i32
    %dma_wait3A_580 = tpu.memref_slice %arg5[%select_n3A, %add3A_503, %dma_wait3A_579] : memref<4x8192x128xf32, #tpu.memory_space<hbm>> -> memref<1x128x128xf32, #tpu.memory_space<hbm>>
    %dma_wait3A_581 = tpu.memref_squeeze %dma_wait3A_580 : memref<1x128x128xf32, #tpu.memory_space<hbm>> -> memref<128x128xf32, #tpu.memory_space<hbm>>
    %dma_wait3A_582 = arith.constant 0 : i32
    %dma_wait3A_583 = arith.constant 0 : i32
    %dma_wait3A_584 = tpu.memref_slice %arg8[%dma_wait3A_571, %dma_wait3A_582, %dma_wait3A_583] : memref<7x128x128xf32, #tpu.memory_space<vmem>> -> memref<1x128x128xf32, #tpu.memory_space<vmem>>
    %dma_wait3A_585 = tpu.memref_squeeze %dma_wait3A_584 : memref<1x128x128xf32, #tpu.memory_space<vmem>> -> memref<128x128xf32, #tpu.memory_space<vmem>>
    tpu.wait_dma2 semaphore(%arg17 : memref<!tpu.dma_semaphore, #tpu.memory_space<semaphore_mem>>) src(%dma_wait3A_585 : memref<128x128xf32, #tpu.memory_space<vmem>>) dst(%dma_wait3A_581 : memref<128x128xf32, #tpu.memory_space<hbm>>)
    %dma_start3A_586 = arith.constant 1 : i32
    %dma_start3A_587 = arith.constant 0 : i32
    %dma_start3A_588 = arith.constant 0 : i32
    %dma_start3A_589 = tpu.memref_slice %arg8[%dma_start3A_586, %dma_start3A_587, %dma_start3A_588] : memref<7x128x128xf32, #tpu.memory_space<vmem>> -> memref<1x128x128xf32, #tpu.memory_space<vmem>>
    %dma_start3A_590 = tpu.memref_squeeze %dma_start3A_589 : memref<1x128x128xf32, #tpu.memory_space<vmem>> -> memref<128x128xf32, #tpu.memory_space<vmem>>
    %dma_start3A_591 = arith.constant 896 : i32
    %dma_start3A_592 = tpu.memref_slice %arg7[%dma_start3A_591] : memref<1024xi32, #tpu.memory_space<vmem>> -> memref<128xi32, #tpu.memory_space<vmem>>
    %dma_start3A_593 = arith.constant 0 : i32
    %dma_start3A_594 = arith.constant 0 : i32
    %dma_start3A_595 = tpu.memref_slice %arg4[%dma_start3A_593, %dma_start3A_594] : memref<8192x128xf32, #tpu.memory_space<hbm>> -> memref<8192x128xf32, #tpu.memory_space<hbm>>
    tpu.enqueue_indirect_dma source(%dma_start3A_595 : memref<8192x128xf32, #tpu.memory_space<hbm>>) target(%dma_start3A_590 : memref<128x128xf32, #tpu.memory_space<vmem>>) offsets(%dma_start3A_592 : memref<128xi32, #tpu.memory_space<vmem>>) semaphore(%arg10 : memref<!tpu.dma_semaphore, #tpu.memory_space<semaphore_mem>>)
    %dma_wait3A_596 = arith.constant 3 : i32
    %dma_wait3A_597 = arith.constant 0 : i32
    %dma_wait3A_598 = arith.constant 0 : i32
    %dma_wait3A_599 = tpu.memref_slice %arg8[%dma_wait3A_596, %dma_wait3A_597, %dma_wait3A_598] : memref<7x128x128xf32, #tpu.memory_space<vmem>> -> memref<1x128x128xf32, #tpu.memory_space<vmem>>
    %dma_wait3A_600 = tpu.memref_squeeze %dma_wait3A_599 : memref<1x128x128xf32, #tpu.memory_space<vmem>> -> memref<128x128xf32, #tpu.memory_space<vmem>>
    %dma_wait3A_601 = arith.constant 640 : i32
    %dma_wait3A_602 = tpu.memref_slice %arg7[%dma_wait3A_601] : memref<1024xi32, #tpu.memory_space<vmem>> -> memref<128xi32, #tpu.memory_space<vmem>>
    %dma_wait3A_603 = arith.constant 0 : i32
    %dma_wait3A_604 = arith.constant 0 : i32
    %dma_wait3A_605 = tpu.memref_slice %arg3[%dma_wait3A_603, %dma_wait3A_604] : memref<8192x128xf32, #tpu.memory_space<hbm>> -> memref<8192x128xf32, #tpu.memory_space<hbm>>
    tpu.wait_indirect_dma semaphore(%arg12 : memref<!tpu.dma_semaphore, #tpu.memory_space<semaphore_mem>>) src(%dma_wait3A_605 : memref<8192x128xf32, #tpu.memory_space<hbm>>) dst(%dma_wait3A_600 : memref<128x128xf32, #tpu.memory_space<vmem>>)
    %add3A_606 = arith.constant 640 : i32
    %add3A_607 = arith.addi %mul3A_32, %add3A_606 : i32
    %dma_start3A_608 = arith.constant 3 : i32
    %dma_start3A_609 = arith.constant 0 : i32
    %dma_start3A_610 = arith.constant 0 : i32
    %dma_start3A_611 = tpu.memref_slice %arg8[%dma_start3A_608, %dma_start3A_609, %dma_start3A_610] : memref<7x128x128xf32, #tpu.memory_space<vmem>> -> memref<1x128x128xf32, #tpu.memory_space<vmem>>
    %dma_start3A_612 = tpu.memref_squeeze %dma_start3A_611 : memref<1x128x128xf32, #tpu.memory_space<vmem>> -> memref<128x128xf32, #tpu.memory_space<vmem>>
    %dma_start3A_613 = arith.constant 0 : i32
    %dma_start3A_614 = tpu.memref_slice %arg5[%select_n3A, %add3A_607, %dma_start3A_613] : memref<4x8192x128xf32, #tpu.memory_space<hbm>> -> memref<1x128x128xf32, #tpu.memory_space<hbm>>
    %dma_start3A_615 = tpu.memref_squeeze %dma_start3A_614 : memref<1x128x128xf32, #tpu.memory_space<hbm>> -> memref<128x128xf32, #tpu.memory_space<hbm>>
    %dma_start3A_616 = arith.constant 0 : i32
    %dma_start3A_617 = tpu.memref_slice %arg5[%select_n3A, %add3A_607, %dma_start3A_616] : memref<4x8192x128xf32, #tpu.memory_space<hbm>> -> memref<1x128x128xf32, #tpu.memory_space<hbm>>
    %dma_start3A_618 = tpu.memref_squeeze %dma_start3A_617 : memref<1x128x128xf32, #tpu.memory_space<hbm>> -> memref<128x128xf32, #tpu.memory_space<hbm>>
    %dma_start3A_619 = arith.constant 0 : i32
    %dma_start3A_620 = arith.constant 0 : i32
    %dma_start3A_621 = tpu.memref_slice %arg8[%dma_start3A_608, %dma_start3A_619, %dma_start3A_620] : memref<7x128x128xf32, #tpu.memory_space<vmem>> -> memref<1x128x128xf32, #tpu.memory_space<vmem>>
    %dma_start3A_622 = tpu.memref_squeeze %dma_start3A_621 : memref<1x128x128xf32, #tpu.memory_space<vmem>> -> memref<128x128xf32, #tpu.memory_space<vmem>>
    tpu.enqueue_dma source(%dma_start3A_622 : memref<128x128xf32, #tpu.memory_space<vmem>>) target(%dma_start3A_618 : memref<128x128xf32, #tpu.memory_space<hbm>>) target_semaphore(%arg19 : memref<!tpu.dma_semaphore, #tpu.memory_space<semaphore_mem>>)
    %dma_wait3A_623 = arith.constant 4 : i32
    %dma_wait3A_624 = arith.constant 0 : i32
    %dma_wait3A_625 = arith.constant 0 : i32
    %dma_wait3A_626 = tpu.memref_slice %arg8[%dma_wait3A_623, %dma_wait3A_624, %dma_wait3A_625] : memref<7x128x128xf32, #tpu.memory_space<vmem>> -> memref<1x128x128xf32, #tpu.memory_space<vmem>>
    %dma_wait3A_627 = tpu.memref_squeeze %dma_wait3A_626 : memref<1x128x128xf32, #tpu.memory_space<vmem>> -> memref<128x128xf32, #tpu.memory_space<vmem>>
    %dma_wait3A_628 = arith.constant 640 : i32
    %dma_wait3A_629 = tpu.memref_slice %arg7[%dma_wait3A_628] : memref<1024xi32, #tpu.memory_space<vmem>> -> memref<128xi32, #tpu.memory_space<vmem>>
    %dma_wait3A_630 = arith.constant 0 : i32
    %dma_wait3A_631 = arith.constant 0 : i32
    %dma_wait3A_632 = tpu.memref_slice %arg4[%dma_wait3A_630, %dma_wait3A_631] : memref<8192x128xf32, #tpu.memory_space<hbm>> -> memref<8192x128xf32, #tpu.memory_space<hbm>>
    tpu.wait_indirect_dma semaphore(%arg13 : memref<!tpu.dma_semaphore, #tpu.memory_space<semaphore_mem>>) src(%dma_wait3A_632 : memref<8192x128xf32, #tpu.memory_space<hbm>>) dst(%dma_wait3A_627 : memref<128x128xf32, #tpu.memory_space<vmem>>)
    %add3A_633 = arith.constant 640 : i32
    %add3A_634 = arith.addi %mul3A_32, %add3A_633 : i32
    %dma_start3A_635 = arith.constant 4 : i32
    %dma_start3A_636 = arith.constant 0 : i32
    %dma_start3A_637 = arith.constant 0 : i32
    %dma_start3A_638 = tpu.memref_slice %arg8[%dma_start3A_635, %dma_start3A_636, %dma_start3A_637] : memref<7x128x128xf32, #tpu.memory_space<vmem>> -> memref<1x128x128xf32, #tpu.memory_space<vmem>>
    %dma_start3A_639 = tpu.memref_squeeze %dma_start3A_638 : memref<1x128x128xf32, #tpu.memory_space<vmem>> -> memref<128x128xf32, #tpu.memory_space<vmem>>
    %dma_start3A_640 = arith.constant 0 : i32
    %dma_start3A_641 = tpu.memref_slice %arg6[%select_n3A, %add3A_634, %dma_start3A_640] : memref<4x8192x128xf32, #tpu.memory_space<hbm>> -> memref<1x128x128xf32, #tpu.memory_space<hbm>>
    %dma_start3A_642 = tpu.memref_squeeze %dma_start3A_641 : memref<1x128x128xf32, #tpu.memory_space<hbm>> -> memref<128x128xf32, #tpu.memory_space<hbm>>
    %dma_start3A_643 = arith.constant 0 : i32
    %dma_start3A_644 = tpu.memref_slice %arg6[%select_n3A, %add3A_634, %dma_start3A_643] : memref<4x8192x128xf32, #tpu.memory_space<hbm>> -> memref<1x128x128xf32, #tpu.memory_space<hbm>>
    %dma_start3A_645 = tpu.memref_squeeze %dma_start3A_644 : memref<1x128x128xf32, #tpu.memory_space<hbm>> -> memref<128x128xf32, #tpu.memory_space<hbm>>
    %dma_start3A_646 = arith.constant 0 : i32
    %dma_start3A_647 = arith.constant 0 : i32
    %dma_start3A_648 = tpu.memref_slice %arg8[%dma_start3A_635, %dma_start3A_646, %dma_start3A_647] : memref<7x128x128xf32, #tpu.memory_space<vmem>> -> memref<1x128x128xf32, #tpu.memory_space<vmem>>
    %dma_start3A_649 = tpu.memref_squeeze %dma_start3A_648 : memref<1x128x128xf32, #tpu.memory_space<vmem>> -> memref<128x128xf32, #tpu.memory_space<vmem>>
    tpu.enqueue_dma source(%dma_start3A_649 : memref<128x128xf32, #tpu.memory_space<vmem>>) target(%dma_start3A_645 : memref<128x128xf32, #tpu.memory_space<hbm>>) target_semaphore(%arg20 : memref<!tpu.dma_semaphore, #tpu.memory_space<semaphore_mem>>)
    %dma_wait3A_650 = arith.constant 5 : i32
    %dma_wait3A_651 = arith.constant 0 : i32
    %dma_wait3A_652 = arith.constant 0 : i32
    %dma_wait3A_653 = tpu.memref_slice %arg8[%dma_wait3A_650, %dma_wait3A_651, %dma_wait3A_652] : memref<7x128x128xf32, #tpu.memory_space<vmem>> -> memref<1x128x128xf32, #tpu.memory_space<vmem>>
    %dma_wait3A_654 = tpu.memref_squeeze %dma_wait3A_653 : memref<1x128x128xf32, #tpu.memory_space<vmem>> -> memref<128x128xf32, #tpu.memory_space<vmem>>
    %dma_wait3A_655 = arith.constant 768 : i32
    %dma_wait3A_656 = tpu.memref_slice %arg7[%dma_wait3A_655] : memref<1024xi32, #tpu.memory_space<vmem>> -> memref<128xi32, #tpu.memory_space<vmem>>
    %dma_wait3A_657 = arith.constant 0 : i32
    %dma_wait3A_658 = arith.constant 0 : i32
    %dma_wait3A_659 = tpu.memref_slice %arg3[%dma_wait3A_657, %dma_wait3A_658] : memref<8192x128xf32, #tpu.memory_space<hbm>> -> memref<8192x128xf32, #tpu.memory_space<hbm>>
    tpu.wait_indirect_dma semaphore(%arg14 : memref<!tpu.dma_semaphore, #tpu.memory_space<semaphore_mem>>) src(%dma_wait3A_659 : memref<8192x128xf32, #tpu.memory_space<hbm>>) dst(%dma_wait3A_654 : memref<128x128xf32, #tpu.memory_space<vmem>>)
    %add3A_660 = arith.constant 768 : i32
    %add3A_661 = arith.addi %mul3A_32, %add3A_660 : i32
    %dma_start3A_662 = arith.constant 5 : i32
    %dma_start3A_663 = arith.constant 0 : i32
    %dma_start3A_664 = arith.constant 0 : i32
    %dma_start3A_665 = tpu.memref_slice %arg8[%dma_start3A_662, %dma_start3A_663, %dma_start3A_664] : memref<7x128x128xf32, #tpu.memory_space<vmem>> -> memref<1x128x128xf32, #tpu.memory_space<vmem>>
    %dma_start3A_666 = tpu.memref_squeeze %dma_start3A_665 : memref<1x128x128xf32, #tpu.memory_space<vmem>> -> memref<128x128xf32, #tpu.memory_space<vmem>>
    %dma_start3A_667 = arith.constant 0 : i32
    %dma_start3A_668 = tpu.memref_slice %arg5[%select_n3A, %add3A_661, %dma_start3A_667] : memref<4x8192x128xf32, #tpu.memory_space<hbm>> -> memref<1x128x128xf32, #tpu.memory_space<hbm>>
    %dma_start3A_669 = tpu.memref_squeeze %dma_start3A_668 : memref<1x128x128xf32, #tpu.memory_space<hbm>> -> memref<128x128xf32, #tpu.memory_space<hbm>>
    %dma_start3A_670 = arith.constant 0 : i32
    %dma_start3A_671 = tpu.memref_slice %arg5[%select_n3A, %add3A_661, %dma_start3A_670] : memref<4x8192x128xf32, #tpu.memory_space<hbm>> -> memref<1x128x128xf32, #tpu.memory_space<hbm>>
    %dma_start3A_672 = tpu.memref_squeeze %dma_start3A_671 : memref<1x128x128xf32, #tpu.memory_space<hbm>> -> memref<128x128xf32, #tpu.memory_space<hbm>>
    %dma_start3A_673 = arith.constant 0 : i32
    %dma_start3A_674 = arith.constant 0 : i32
    %dma_start3A_675 = tpu.memref_slice %arg8[%dma_start3A_662, %dma_start3A_673, %dma_start3A_674] : memref<7x128x128xf32, #tpu.memory_space<vmem>> -> memref<1x128x128xf32, #tpu.memory_space<vmem>>
    %dma_start3A_676 = tpu.memref_squeeze %dma_start3A_675 : memref<1x128x128xf32, #tpu.memory_space<vmem>> -> memref<128x128xf32, #tpu.memory_space<vmem>>
    tpu.enqueue_dma source(%dma_start3A_676 : memref<128x128xf32, #tpu.memory_space<vmem>>) target(%dma_start3A_672 : memref<128x128xf32, #tpu.memory_space<hbm>>) target_semaphore(%arg21 : memref<!tpu.dma_semaphore, #tpu.memory_space<semaphore_mem>>)
    %dma_wait3A_677 = arith.constant 6 : i32
    %dma_wait3A_678 = arith.constant 0 : i32
    %dma_wait3A_679 = arith.constant 0 : i32
    %dma_wait3A_680 = tpu.memref_slice %arg8[%dma_wait3A_677, %dma_wait3A_678, %dma_wait3A_679] : memref<7x128x128xf32, #tpu.memory_space<vmem>> -> memref<1x128x128xf32, #tpu.memory_space<vmem>>
    %dma_wait3A_681 = tpu.memref_squeeze %dma_wait3A_680 : memref<1x128x128xf32, #tpu.memory_space<vmem>> -> memref<128x128xf32, #tpu.memory_space<vmem>>
    %dma_wait3A_682 = arith.constant 768 : i32
    %dma_wait3A_683 = tpu.memref_slice %arg7[%dma_wait3A_682] : memref<1024xi32, #tpu.memory_space<vmem>> -> memref<128xi32, #tpu.memory_space<vmem>>
    %dma_wait3A_684 = arith.constant 0 : i32
    %dma_wait3A_685 = arith.constant 0 : i32
    %dma_wait3A_686 = tpu.memref_slice %arg4[%dma_wait3A_684, %dma_wait3A_685] : memref<8192x128xf32, #tpu.memory_space<hbm>> -> memref<8192x128xf32, #tpu.memory_space<hbm>>
    tpu.wait_indirect_dma semaphore(%arg15 : memref<!tpu.dma_semaphore, #tpu.memory_space<semaphore_mem>>) src(%dma_wait3A_686 : memref<8192x128xf32, #tpu.memory_space<hbm>>) dst(%dma_wait3A_681 : memref<128x128xf32, #tpu.memory_space<vmem>>)
    %add3A_687 = arith.constant 768 : i32
    %add3A_688 = arith.addi %mul3A_32, %add3A_687 : i32
    %dma_start3A_689 = arith.constant 6 : i32
    %dma_start3A_690 = arith.constant 0 : i32
    %dma_start3A_691 = arith.constant 0 : i32
    %dma_start3A_692 = tpu.memref_slice %arg8[%dma_start3A_689, %dma_start3A_690, %dma_start3A_691] : memref<7x128x128xf32, #tpu.memory_space<vmem>> -> memref<1x128x128xf32, #tpu.memory_space<vmem>>
    %dma_start3A_693 = tpu.memref_squeeze %dma_start3A_692 : memref<1x128x128xf32, #tpu.memory_space<vmem>> -> memref<128x128xf32, #tpu.memory_space<vmem>>
    %dma_start3A_694 = arith.constant 0 : i32
    %dma_start3A_695 = tpu.memref_slice %arg6[%select_n3A, %add3A_688, %dma_start3A_694] : memref<4x8192x128xf32, #tpu.memory_space<hbm>> -> memref<1x128x128xf32, #tpu.memory_space<hbm>>
    %dma_start3A_696 = tpu.memref_squeeze %dma_start3A_695 : memref<1x128x128xf32, #tpu.memory_space<hbm>> -> memref<128x128xf32, #tpu.memory_space<hbm>>
    %dma_start3A_697 = arith.constant 0 : i32
    %dma_start3A_698 = tpu.memref_slice %arg6[%select_n3A, %add3A_688, %dma_start3A_697] : memref<4x8192x128xf32, #tpu.memory_space<hbm>> -> memref<1x128x128xf32, #tpu.memory_space<hbm>>
    %dma_start3A_699 = tpu.memref_squeeze %dma_start3A_698 : memref<1x128x128xf32, #tpu.memory_space<hbm>> -> memref<128x128xf32, #tpu.memory_space<hbm>>
    %dma_start3A_700 = arith.constant 0 : i32
    %dma_start3A_701 = arith.constant 0 : i32
    %dma_start3A_702 = tpu.memref_slice %arg8[%dma_start3A_689, %dma_start3A_700, %dma_start3A_701] : memref<7x128x128xf32, #tpu.memory_space<vmem>> -> memref<1x128x128xf32, #tpu.memory_space<vmem>>
    %dma_start3A_703 = tpu.memref_squeeze %dma_start3A_702 : memref<1x128x128xf32, #tpu.memory_space<vmem>> -> memref<128x128xf32, #tpu.memory_space<vmem>>
    tpu.enqueue_dma source(%dma_start3A_703 : memref<128x128xf32, #tpu.memory_space<vmem>>) target(%dma_start3A_699 : memref<128x128xf32, #tpu.memory_space<hbm>>) target_semaphore(%arg22 : memref<!tpu.dma_semaphore, #tpu.memory_space<semaphore_mem>>)
    %dma_wait3A_704 = arith.constant 0 : i32
    %dma_wait3A_705 = arith.constant 0 : i32
    %dma_wait3A_706 = arith.constant 0 : i32
    %dma_wait3A_707 = tpu.memref_slice %arg8[%dma_wait3A_704, %dma_wait3A_705, %dma_wait3A_706] : memref<7x128x128xf32, #tpu.memory_space<vmem>> -> memref<1x128x128xf32, #tpu.memory_space<vmem>>
    %dma_wait3A_708 = tpu.memref_squeeze %dma_wait3A_707 : memref<1x128x128xf32, #tpu.memory_space<vmem>> -> memref<128x128xf32, #tpu.memory_space<vmem>>
    %dma_wait3A_709 = arith.constant 896 : i32
    %dma_wait3A_710 = tpu.memref_slice %arg7[%dma_wait3A_709] : memref<1024xi32, #tpu.memory_space<vmem>> -> memref<128xi32, #tpu.memory_space<vmem>>
    %dma_wait3A_711 = arith.constant 0 : i32
    %dma_wait3A_712 = arith.constant 0 : i32
    %dma_wait3A_713 = tpu.memref_slice %arg3[%dma_wait3A_711, %dma_wait3A_712] : memref<8192x128xf32, #tpu.memory_space<hbm>> -> memref<8192x128xf32, #tpu.memory_space<hbm>>
    tpu.wait_indirect_dma semaphore(%arg9 : memref<!tpu.dma_semaphore, #tpu.memory_space<semaphore_mem>>) src(%dma_wait3A_713 : memref<8192x128xf32, #tpu.memory_space<hbm>>) dst(%dma_wait3A_708 : memref<128x128xf32, #tpu.memory_space<vmem>>)
    %add3A_714 = arith.constant 896 : i32
    %add3A_715 = arith.addi %mul3A_32, %add3A_714 : i32
    %dma_start3A_716 = arith.constant 0 : i32
    %dma_start3A_717 = arith.constant 0 : i32
    %dma_start3A_718 = arith.constant 0 : i32
    %dma_start3A_719 = tpu.memref_slice %arg8[%dma_start3A_716, %dma_start3A_717, %dma_start3A_718] : memref<7x128x128xf32, #tpu.memory_space<vmem>> -> memref<1x128x128xf32, #tpu.memory_space<vmem>>
    %dma_start3A_720 = tpu.memref_squeeze %dma_start3A_719 : memref<1x128x128xf32, #tpu.memory_space<vmem>> -> memref<128x128xf32, #tpu.memory_space<vmem>>
    %dma_start3A_721 = arith.constant 0 : i32
    %dma_start3A_722 = tpu.memref_slice %arg5[%select_n3A, %add3A_715, %dma_start3A_721] : memref<4x8192x128xf32, #tpu.memory_space<hbm>> -> memref<1x128x128xf32, #tpu.memory_space<hbm>>
    %dma_start3A_723 = tpu.memref_squeeze %dma_start3A_722 : memref<1x128x128xf32, #tpu.memory_space<hbm>> -> memref<128x128xf32, #tpu.memory_space<hbm>>
    %dma_start3A_724 = arith.constant 0 : i32
    %dma_start3A_725 = tpu.memref_slice %arg5[%select_n3A, %add3A_715, %dma_start3A_724] : memref<4x8192x128xf32, #tpu.memory_space<hbm>> -> memref<1x128x128xf32, #tpu.memory_space<hbm>>
    %dma_start3A_726 = tpu.memref_squeeze %dma_start3A_725 : memref<1x128x128xf32, #tpu.memory_space<hbm>> -> memref<128x128xf32, #tpu.memory_space<hbm>>
    %dma_start3A_727 = arith.constant 0 : i32
    %dma_start3A_728 = arith.constant 0 : i32
    %dma_start3A_729 = tpu.memref_slice %arg8[%dma_start3A_716, %dma_start3A_727, %dma_start3A_728] : memref<7x128x128xf32, #tpu.memory_space<vmem>> -> memref<1x128x128xf32, #tpu.memory_space<vmem>>
    %dma_start3A_730 = tpu.memref_squeeze %dma_start3A_729 : memref<1x128x128xf32, #tpu.memory_space<vmem>> -> memref<128x128xf32, #tpu.memory_space<vmem>>
    tpu.enqueue_dma source(%dma_start3A_730 : memref<128x128xf32, #tpu.memory_space<vmem>>) target(%dma_start3A_726 : memref<128x128xf32, #tpu.memory_space<hbm>>) target_semaphore(%arg16 : memref<!tpu.dma_semaphore, #tpu.memory_space<semaphore_mem>>)
    %dma_wait3A_731 = arith.constant 1 : i32
    %dma_wait3A_732 = arith.constant 0 : i32
    %dma_wait3A_733 = arith.constant 0 : i32
    %dma_wait3A_734 = tpu.memref_slice %arg8[%dma_wait3A_731, %dma_wait3A_732, %dma_wait3A_733] : memref<7x128x128xf32, #tpu.memory_space<vmem>> -> memref<1x128x128xf32, #tpu.memory_space<vmem>>
    %dma_wait3A_735 = tpu.memref_squeeze %dma_wait3A_734 : memref<1x128x128xf32, #tpu.memory_space<vmem>> -> memref<128x128xf32, #tpu.memory_space<vmem>>
    %dma_wait3A_736 = arith.constant 896 : i32
    %dma_wait3A_737 = tpu.memref_slice %arg7[%dma_wait3A_736] : memref<1024xi32, #tpu.memory_space<vmem>> -> memref<128xi32, #tpu.memory_space<vmem>>
    %dma_wait3A_738 = arith.constant 0 : i32
    %dma_wait3A_739 = arith.constant 0 : i32
    %dma_wait3A_740 = tpu.memref_slice %arg4[%dma_wait3A_738, %dma_wait3A_739] : memref<8192x128xf32, #tpu.memory_space<hbm>> -> memref<8192x128xf32, #tpu.memory_space<hbm>>
    tpu.wait_indirect_dma semaphore(%arg10 : memref<!tpu.dma_semaphore, #tpu.memory_space<semaphore_mem>>) src(%dma_wait3A_740 : memref<8192x128xf32, #tpu.memory_space<hbm>>) dst(%dma_wait3A_735 : memref<128x128xf32, #tpu.memory_space<vmem>>)
    %add3A_741 = arith.constant 896 : i32
    %add3A_742 = arith.addi %mul3A_32, %add3A_741 : i32
    %dma_start3A_743 = arith.constant 1 : i32
    %dma_start3A_744 = arith.constant 0 : i32
    %dma_start3A_745 = arith.constant 0 : i32
    %dma_start3A_746 = tpu.memref_slice %arg8[%dma_start3A_743, %dma_start3A_744, %dma_start3A_745] : memref<7x128x128xf32, #tpu.memory_space<vmem>> -> memref<1x128x128xf32, #tpu.memory_space<vmem>>
    %dma_start3A_747 = tpu.memref_squeeze %dma_start3A_746 : memref<1x128x128xf32, #tpu.memory_space<vmem>> -> memref<128x128xf32, #tpu.memory_space<vmem>>
    %dma_start3A_748 = arith.constant 0 : i32
    %dma_start3A_749 = tpu.memref_slice %arg6[%select_n3A, %add3A_742, %dma_start3A_748] : memref<4x8192x128xf32, #tpu.memory_space<hbm>> -> memref<1x128x128xf32, #tpu.memory_space<hbm>>
    %dma_start3A_750 = tpu.memref_squeeze %dma_start3A_749 : memref<1x128x128xf32, #tpu.memory_space<hbm>> -> memref<128x128xf32, #tpu.memory_space<hbm>>
    %dma_start3A_751 = arith.constant 0 : i32
    %dma_start3A_752 = tpu.memref_slice %arg6[%select_n3A, %add3A_742, %dma_start3A_751] : memref<4x8192x128xf32, #tpu.memory_space<hbm>> -> memref<1x128x128xf32, #tpu.memory_space<hbm>>
    %dma_start3A_753 = tpu.memref_squeeze %dma_start3A_752 : memref<1x128x128xf32, #tpu.memory_space<hbm>> -> memref<128x128xf32, #tpu.memory_space<hbm>>
    %dma_start3A_754 = arith.constant 0 : i32
    %dma_start3A_755 = arith.constant 0 : i32
    %dma_start3A_756 = tpu.memref_slice %arg8[%dma_start3A_743, %dma_start3A_754, %dma_start3A_755] : memref<7x128x128xf32, #tpu.memory_space<vmem>> -> memref<1x128x128xf32, #tpu.memory_space<vmem>>
    %dma_start3A_757 = tpu.memref_squeeze %dma_start3A_756 : memref<1x128x128xf32, #tpu.memory_space<vmem>> -> memref<128x128xf32, #tpu.memory_space<vmem>>
    tpu.enqueue_dma source(%dma_start3A_757 : memref<128x128xf32, #tpu.memory_space<vmem>>) target(%dma_start3A_753 : memref<128x128xf32, #tpu.memory_space<hbm>>) target_semaphore(%arg17 : memref<!tpu.dma_semaphore, #tpu.memory_space<semaphore_mem>>)
    %dma_wait3A_758 = arith.constant 2 : i32
    %dma_wait3A_759 = arith.constant 0 : i32
    %dma_wait3A_760 = arith.constant 0 : i32
    %dma_wait3A_761 = tpu.memref_slice %arg8[%dma_wait3A_758, %dma_wait3A_759, %dma_wait3A_760] : memref<7x128x128xf32, #tpu.memory_space<vmem>> -> memref<1x128x128xf32, #tpu.memory_space<vmem>>
    %dma_wait3A_762 = tpu.memref_squeeze %dma_wait3A_761 : memref<1x128x128xf32, #tpu.memory_space<vmem>> -> memref<128x128xf32, #tpu.memory_space<vmem>>
    %dma_wait3A_763 = arith.constant 0 : i32
    %dma_wait3A_764 = tpu.memref_slice %arg6[%select_n3A, %add3A_555, %dma_wait3A_763] : memref<4x8192x128xf32, #tpu.memory_space<hbm>> -> memref<1x128x128xf32, #tpu.memory_space<hbm>>
    %dma_wait3A_765 = tpu.memref_squeeze %dma_wait3A_764 : memref<1x128x128xf32, #tpu.memory_space<hbm>> -> memref<128x128xf32, #tpu.memory_space<hbm>>
    %dma_wait3A_766 = arith.constant 0 : i32
    %dma_wait3A_767 = tpu.memref_slice %arg6[%select_n3A, %add3A_555, %dma_wait3A_766] : memref<4x8192x128xf32, #tpu.memory_space<hbm>> -> memref<1x128x128xf32, #tpu.memory_space<hbm>>
    %dma_wait3A_768 = tpu.memref_squeeze %dma_wait3A_767 : memref<1x128x128xf32, #tpu.memory_space<hbm>> -> memref<128x128xf32, #tpu.memory_space<hbm>>
    %dma_wait3A_769 = arith.constant 0 : i32
    %dma_wait3A_770 = arith.constant 0 : i32
    %dma_wait3A_771 = tpu.memref_slice %arg8[%dma_wait3A_758, %dma_wait3A_769, %dma_wait3A_770] : memref<7x128x128xf32, #tpu.memory_space<vmem>> -> memref<1x128x128xf32, #tpu.memory_space<vmem>>
    %dma_wait3A_772 = tpu.memref_squeeze %dma_wait3A_771 : memref<1x128x128xf32, #tpu.memory_space<vmem>> -> memref<128x128xf32, #tpu.memory_space<vmem>>
    tpu.wait_dma2 semaphore(%arg18 : memref<!tpu.dma_semaphore, #tpu.memory_space<semaphore_mem>>) src(%dma_wait3A_772 : memref<128x128xf32, #tpu.memory_space<vmem>>) dst(%dma_wait3A_768 : memref<128x128xf32, #tpu.memory_space<hbm>>)
    %dma_wait3A_773 = arith.constant 3 : i32
    %dma_wait3A_774 = arith.constant 0 : i32
    %dma_wait3A_775 = arith.constant 0 : i32
    %dma_wait3A_776 = tpu.memref_slice %arg8[%dma_wait3A_773, %dma_wait3A_774, %dma_wait3A_775] : memref<7x128x128xf32, #tpu.memory_space<vmem>> -> memref<1x128x128xf32, #tpu.memory_space<vmem>>
    %dma_wait3A_777 = tpu.memref_squeeze %dma_wait3A_776 : memref<1x128x128xf32, #tpu.memory_space<vmem>> -> memref<128x128xf32, #tpu.memory_space<vmem>>
    %dma_wait3A_778 = arith.constant 0 : i32
    %dma_wait3A_779 = tpu.memref_slice %arg5[%select_n3A, %add3A_607, %dma_wait3A_778] : memref<4x8192x128xf32, #tpu.memory_space<hbm>> -> memref<1x128x128xf32, #tpu.memory_space<hbm>>
    %dma_wait3A_780 = tpu.memref_squeeze %dma_wait3A_779 : memref<1x128x128xf32, #tpu.memory_space<hbm>> -> memref<128x128xf32, #tpu.memory_space<hbm>>
    %dma_wait3A_781 = arith.constant 0 : i32
    %dma_wait3A_782 = tpu.memref_slice %arg5[%select_n3A, %add3A_607, %dma_wait3A_781] : memref<4x8192x128xf32, #tpu.memory_space<hbm>> -> memref<1x128x128xf32, #tpu.memory_space<hbm>>
    %dma_wait3A_783 = tpu.memref_squeeze %dma_wait3A_782 : memref<1x128x128xf32, #tpu.memory_space<hbm>> -> memref<128x128xf32, #tpu.memory_space<hbm>>
    %dma_wait3A_784 = arith.constant 0 : i32
    %dma_wait3A_785 = arith.constant 0 : i32
    %dma_wait3A_786 = tpu.memref_slice %arg8[%dma_wait3A_773, %dma_wait3A_784, %dma_wait3A_785] : memref<7x128x128xf32, #tpu.memory_space<vmem>> -> memref<1x128x128xf32, #tpu.memory_space<vmem>>
    %dma_wait3A_787 = tpu.memref_squeeze %dma_wait3A_786 : memref<1x128x128xf32, #tpu.memory_space<vmem>> -> memref<128x128xf32, #tpu.memory_space<vmem>>
    tpu.wait_dma2 semaphore(%arg19 : memref<!tpu.dma_semaphore, #tpu.memory_space<semaphore_mem>>) src(%dma_wait3A_787 : memref<128x128xf32, #tpu.memory_space<vmem>>) dst(%dma_wait3A_783 : memref<128x128xf32, #tpu.memory_space<hbm>>)
    %dma_wait3A_788 = arith.constant 4 : i32
    %dma_wait3A_789 = arith.constant 0 : i32
    %dma_wait3A_790 = arith.constant 0 : i32
    %dma_wait3A_791 = tpu.memref_slice %arg8[%dma_wait3A_788, %dma_wait3A_789, %dma_wait3A_790] : memref<7x128x128xf32, #tpu.memory_space<vmem>> -> memref<1x128x128xf32, #tpu.memory_space<vmem>>
    %dma_wait3A_792 = tpu.memref_squeeze %dma_wait3A_791 : memref<1x128x128xf32, #tpu.memory_space<vmem>> -> memref<128x128xf32, #tpu.memory_space<vmem>>
    %dma_wait3A_793 = arith.constant 0 : i32
    %dma_wait3A_794 = tpu.memref_slice %arg6[%select_n3A, %add3A_634, %dma_wait3A_793] : memref<4x8192x128xf32, #tpu.memory_space<hbm>> -> memref<1x128x128xf32, #tpu.memory_space<hbm>>
    %dma_wait3A_795 = tpu.memref_squeeze %dma_wait3A_794 : memref<1x128x128xf32, #tpu.memory_space<hbm>> -> memref<128x128xf32, #tpu.memory_space<hbm>>
    %dma_wait3A_796 = arith.constant 0 : i32
    %dma_wait3A_797 = tpu.memref_slice %arg6[%select_n3A, %add3A_634, %dma_wait3A_796] : memref<4x8192x128xf32, #tpu.memory_space<hbm>> -> memref<1x128x128xf32, #tpu.memory_space<hbm>>
    %dma_wait3A_798 = tpu.memref_squeeze %dma_wait3A_797 : memref<1x128x128xf32, #tpu.memory_space<hbm>> -> memref<128x128xf32, #tpu.memory_space<hbm>>
    %dma_wait3A_799 = arith.constant 0 : i32
    %dma_wait3A_800 = arith.constant 0 : i32
    %dma_wait3A_801 = tpu.memref_slice %arg8[%dma_wait3A_788, %dma_wait3A_799, %dma_wait3A_800] : memref<7x128x128xf32, #tpu.memory_space<vmem>> -> memref<1x128x128xf32, #tpu.memory_space<vmem>>
    %dma_wait3A_802 = tpu.memref_squeeze %dma_wait3A_801 : memref<1x128x128xf32, #tpu.memory_space<vmem>> -> memref<128x128xf32, #tpu.memory_space<vmem>>
    tpu.wait_dma2 semaphore(%arg20 : memref<!tpu.dma_semaphore, #tpu.memory_space<semaphore_mem>>) src(%dma_wait3A_802 : memref<128x128xf32, #tpu.memory_space<vmem>>) dst(%dma_wait3A_798 : memref<128x128xf32, #tpu.memory_space<hbm>>)
    %dma_wait3A_803 = arith.constant 5 : i32
    %dma_wait3A_804 = arith.constant 0 : i32
    %dma_wait3A_805 = arith.constant 0 : i32
    %dma_wait3A_806 = tpu.memref_slice %arg8[%dma_wait3A_803, %dma_wait3A_804, %dma_wait3A_805] : memref<7x128x128xf32, #tpu.memory_space<vmem>> -> memref<1x128x128xf32, #tpu.memory_space<vmem>>
    %dma_wait3A_807 = tpu.memref_squeeze %dma_wait3A_806 : memref<1x128x128xf32, #tpu.memory_space<vmem>> -> memref<128x128xf32, #tpu.memory_space<vmem>>
    %dma_wait3A_808 = arith.constant 0 : i32
    %dma_wait3A_809 = tpu.memref_slice %arg5[%select_n3A, %add3A_661, %dma_wait3A_808] : memref<4x8192x128xf32, #tpu.memory_space<hbm>> -> memref<1x128x128xf32, #tpu.memory_space<hbm>>
    %dma_wait3A_810 = tpu.memref_squeeze %dma_wait3A_809 : memref<1x128x128xf32, #tpu.memory_space<hbm>> -> memref<128x128xf32, #tpu.memory_space<hbm>>
    %dma_wait3A_811 = arith.constant 0 : i32
    %dma_wait3A_812 = tpu.memref_slice %arg5[%select_n3A, %add3A_661, %dma_wait3A_811] : memref<4x8192x128xf32, #tpu.memory_space<hbm>> -> memref<1x128x128xf32, #tpu.memory_space<hbm>>
    %dma_wait3A_813 = tpu.memref_squeeze %dma_wait3A_812 : memref<1x128x128xf32, #tpu.memory_space<hbm>> -> memref<128x128xf32, #tpu.memory_space<hbm>>
    %dma_wait3A_814 = arith.constant 0 : i32
    %dma_wait3A_815 = arith.constant 0 : i32
    %dma_wait3A_816 = tpu.memref_slice %arg8[%dma_wait3A_803, %dma_wait3A_814, %dma_wait3A_815] : memref<7x128x128xf32, #tpu.memory_space<vmem>> -> memref<1x128x128xf32, #tpu.memory_space<vmem>>
    %dma_wait3A_817 = tpu.memref_squeeze %dma_wait3A_816 : memref<1x128x128xf32, #tpu.memory_space<vmem>> -> memref<128x128xf32, #tpu.memory_space<vmem>>
    tpu.wait_dma2 semaphore(%arg21 : memref<!tpu.dma_semaphore, #tpu.memory_space<semaphore_mem>>) src(%dma_wait3A_817 : memref<128x128xf32, #tpu.memory_space<vmem>>) dst(%dma_wait3A_813 : memref<128x128xf32, #tpu.memory_space<hbm>>)
    %dma_wait3A_818 = arith.constant 6 : i32
    %dma_wait3A_819 = arith.constant 0 : i32
    %dma_wait3A_820 = arith.constant 0 : i32
    %dma_wait3A_821 = tpu.memref_slice %arg8[%dma_wait3A_818, %dma_wait3A_819, %dma_wait3A_820] : memref<7x128x128xf32, #tpu.memory_space<vmem>> -> memref<1x128x128xf32, #tpu.memory_space<vmem>>
    %dma_wait3A_822 = tpu.memref_squeeze %dma_wait3A_821 : memref<1x128x128xf32, #tpu.memory_space<vmem>> -> memref<128x128xf32, #tpu.memory_space<vmem>>
    %dma_wait3A_823 = arith.constant 0 : i32
    %dma_wait3A_824 = tpu.memref_slice %arg6[%select_n3A, %add3A_688, %dma_wait3A_823] : memref<4x8192x128xf32, #tpu.memory_space<hbm>> -> memref<1x128x128xf32, #tpu.memory_space<hbm>>
    %dma_wait3A_825 = tpu.memref_squeeze %dma_wait3A_824 : memref<1x128x128xf32, #tpu.memory_space<hbm>> -> memref<128x128xf32, #tpu.memory_space<hbm>>
    %dma_wait3A_826 = arith.constant 0 : i32
    %dma_wait3A_827 = tpu.memref_slice %arg6[%select_n3A, %add3A_688, %dma_wait3A_826] : memref<4x8192x128xf32, #tpu.memory_space<hbm>> -> memref<1x128x128xf32, #tpu.memory_space<hbm>>
    %dma_wait3A_828 = tpu.memref_squeeze %dma_wait3A_827 : memref<1x128x128xf32, #tpu.memory_space<hbm>> -> memref<128x128xf32, #tpu.memory_space<hbm>>
    %dma_wait3A_829 = arith.constant 0 : i32
    %dma_wait3A_830 = arith.constant 0 : i32
    %dma_wait3A_831 = tpu.memref_slice %arg8[%dma_wait3A_818, %dma_wait3A_829, %dma_wait3A_830] : memref<7x128x128xf32, #tpu.memory_space<vmem>> -> memref<1x128x128xf32, #tpu.memory_space<vmem>>
    %dma_wait3A_832 = tpu.memref_squeeze %dma_wait3A_831 : memref<1x128x128xf32, #tpu.memory_space<vmem>> -> memref<128x128xf32, #tpu.memory_space<vmem>>
    tpu.wait_dma2 semaphore(%arg22 : memref<!tpu.dma_semaphore, #tpu.memory_space<semaphore_mem>>) src(%dma_wait3A_832 : memref<128x128xf32, #tpu.memory_space<vmem>>) dst(%dma_wait3A_828 : memref<128x128xf32, #tpu.memory_space<hbm>>)
    %dma_wait3A_833 = arith.constant 0 : i32
    %dma_wait3A_834 = arith.constant 0 : i32
    %dma_wait3A_835 = arith.constant 0 : i32
    %dma_wait3A_836 = tpu.memref_slice %arg8[%dma_wait3A_833, %dma_wait3A_834, %dma_wait3A_835] : memref<7x128x128xf32, #tpu.memory_space<vmem>> -> memref<1x128x128xf32, #tpu.memory_space<vmem>>
    %dma_wait3A_837 = tpu.memref_squeeze %dma_wait3A_836 : memref<1x128x128xf32, #tpu.memory_space<vmem>> -> memref<128x128xf32, #tpu.memory_space<vmem>>
    %dma_wait3A_838 = arith.constant 0 : i32
    %dma_wait3A_839 = tpu.memref_slice %arg5[%select_n3A, %add3A_715, %dma_wait3A_838] : memref<4x8192x128xf32, #tpu.memory_space<hbm>> -> memref<1x128x128xf32, #tpu.memory_space<hbm>>
    %dma_wait3A_840 = tpu.memref_squeeze %dma_wait3A_839 : memref<1x128x128xf32, #tpu.memory_space<hbm>> -> memref<128x128xf32, #tpu.memory_space<hbm>>
    %dma_wait3A_841 = arith.constant 0 : i32
    %dma_wait3A_842 = tpu.memref_slice %arg5[%select_n3A, %add3A_715, %dma_wait3A_841] : memref<4x8192x128xf32, #tpu.memory_space<hbm>> -> memref<1x128x128xf32, #tpu.memory_space<hbm>>
    %dma_wait3A_843 = tpu.memref_squeeze %dma_wait3A_842 : memref<1x128x128xf32, #tpu.memory_space<hbm>> -> memref<128x128xf32, #tpu.memory_space<hbm>>
    %dma_wait3A_844 = arith.constant 0 : i32
    %dma_wait3A_845 = arith.constant 0 : i32
    %dma_wait3A_846 = tpu.memref_slice %arg8[%dma_wait3A_833, %dma_wait3A_844, %dma_wait3A_845] : memref<7x128x128xf32, #tpu.memory_space<vmem>> -> memref<1x128x128xf32, #tpu.memory_space<vmem>>
    %dma_wait3A_847 = tpu.memref_squeeze %dma_wait3A_846 : memref<1x128x128xf32, #tpu.memory_space<vmem>> -> memref<128x128xf32, #tpu.memory_space<vmem>>
    tpu.wait_dma2 semaphore(%arg16 : memref<!tpu.dma_semaphore, #tpu.memory_space<semaphore_mem>>) src(%dma_wait3A_847 : memref<128x128xf32, #tpu.memory_space<vmem>>) dst(%dma_wait3A_843 : memref<128x128xf32, #tpu.memory_space<hbm>>)
    %dma_wait3A_848 = arith.constant 1 : i32
    %dma_wait3A_849 = arith.constant 0 : i32
    %dma_wait3A_850 = arith.constant 0 : i32
    %dma_wait3A_851 = tpu.memref_slice %arg8[%dma_wait3A_848, %dma_wait3A_849, %dma_wait3A_850] : memref<7x128x128xf32, #tpu.memory_space<vmem>> -> memref<1x128x128xf32, #tpu.memory_space<vmem>>
    %dma_wait3A_852 = tpu.memref_squeeze %dma_wait3A_851 : memref<1x128x128xf32, #tpu.memory_space<vmem>> -> memref<128x128xf32, #tpu.memory_space<vmem>>
    %dma_wait3A_853 = arith.constant 0 : i32
    %dma_wait3A_854 = tpu.memref_slice %arg6[%select_n3A, %add3A_742, %dma_wait3A_853] : memref<4x8192x128xf32, #tpu.memory_space<hbm>> -> memref<1x128x128xf32, #tpu.memory_space<hbm>>
    %dma_wait3A_855 = tpu.memref_squeeze %dma_wait3A_854 : memref<1x128x128xf32, #tpu.memory_space<hbm>> -> memref<128x128xf32, #tpu.memory_space<hbm>>
    %dma_wait3A_856 = arith.constant 0 : i32
    %dma_wait3A_857 = tpu.memref_slice %arg6[%select_n3A, %add3A_742, %dma_wait3A_856] : memref<4x8192x128xf32, #tpu.memory_space<hbm>> -> memref<1x128x128xf32, #tpu.memory_space<hbm>>
    %dma_wait3A_858 = tpu.memref_squeeze %dma_wait3A_857 : memref<1x128x128xf32, #tpu.memory_space<hbm>> -> memref<128x128xf32, #tpu.memory_space<hbm>>
    %dma_wait3A_859 = arith.constant 0 : i32
    %dma_wait3A_860 = arith.constant 0 : i32
    %dma_wait3A_861 = tpu.memref_slice %arg8[%dma_wait3A_848, %dma_wait3A_859, %dma_wait3A_860] : memref<7x128x128xf32, #tpu.memory_space<vmem>> -> memref<1x128x128xf32, #tpu.memory_space<vmem>>
    %dma_wait3A_862 = tpu.memref_squeeze %dma_wait3A_861 : memref<1x128x128xf32, #tpu.memory_space<vmem>> -> memref<128x128xf32, #tpu.memory_space<vmem>>
    tpu.wait_dma2 semaphore(%arg17 : memref<!tpu.dma_semaphore, #tpu.memory_space<semaphore_mem>>) src(%dma_wait3A_862 : memref<128x128xf32, #tpu.memory_space<vmem>>) dst(%dma_wait3A_858 : memref<128x128xf32, #tpu.memory_space<hbm>>)
    return
  }
}

</mosaic_0001>

<sc_bundles>
// kernel: kernel.3.cloned.1.call-start
scs
__scs_entry_jumppad:
0x0: {  	(pc) =	sbr.rel $0x88, $3  }
0x1: {  	(tag) =	ssettag $0x0;
	lr =	simm.s32 $0x1  }
0x2: {  	[smem:$0x3F9E] =	sst lr;
	_ =	strace $0xD0000000  }
0x3: {  	_ = 	snop  }
0x4: {  	_ = 	snop  }
0x5: {  	_ = 	snop  }
0x6: {  	_ = 	snop  }
0x7: {  	_ = 	snop  }
__scs_overlays_trampoline_lowered:
0x8: {  	[smem:$0x3FAD] =	sst s0  }
0x9: {  	[smem:$0x3FAE] =	sst s1  }
0xa: {  	[smem:$0x3FAF] =	sst s2  }
0xb: {  	[smem:$0x3FB0] =	sst s3  }
0xc: {  	[smem:$0x3FB1] =	sst s4  }
0xd: {  	[smem:$0x3FB2] =	sst s5  }
0xe: {  	[smem:$0x3FB3] =	sst s6  }
0xf: {  	[smem:$0x3FB4] =	sst s7  }
0x10: {  	[smem:$0x3FB5] =	sst s8  }
0x11: {  	[smem:$0x3FB6] =	sst s9;
	s0 =	simm.s32 @!p0 $0x0  }
0x12: {  	s1 =	sld [smem:$0x3F9C];
	s0 =	simm.s32 @p0 $0x1  }
0x13: {  	[smem:$0x3FB7] =	sst s0;
	s0 =	simm.s32 @!p1 $0x0  }
0x14: {  	s2 =	sld [smem:$0x3F9B];
	s0 =	simm.s32 @p1 $0x1  }
0x15: {  	[smem:$0x3FB8] =	sst s0;
	s0 =	simm.s32 @!p2 $0x0  }
0x16: {  	s3 =	sld [smem:$0x3FDB];
	s0 =	simm.s32 @p2 $0x1  }
0x17: {  	s4 =	simm.s32 $0x1BF5;
	[smem:$0x3FBA] =	sst s0  }
0x18: {  	s0 =	sld [smem:$0x3F9D];
	_ =	swait.ge [sflag:s4], $0x0  }
0x19: {  	s7 =	sld [smem:$0x3F9E]  }
0x1a: {  	s8 =	sadd.s32 $0xFFFFE003, lr  }
0x1b: {  	s9 =	sadd.s32 $0xFFFFFEF7, lr;
	s5 =	simm.s32 $0xFFFFFFFF;
	p2 =	slt.u32 s8, $0xFFFFF086  }
0x1c: {  	p1 =	slt.u32 s9, $0xF7A;
	s5 =	simm.s32 @!p2 $0x0  }
0x1d: {  	s5 =	simm.s32 @p1 $0x1;
	p0 =	seq.s32 s7, s2  }
0x1e: {  	s7 =	smul.u32 @!p0 $0xF7A, s2;
	p2 =	seq.s32 @!p0 s5, $0x0  }
0x1f: {  	s9 =	smul.u32 $0xF7A, s1;
	s8 =	simm.s32 @!p0 $0x1BF5;
	p2 =	por !p2, p0  }
0x20: {  	[sflag:s8] =	ssyncset.s32 @!p0 $0xFFFFF086;
	s6 =	sadd.s32 @!p0 s3, s7;
	s7 =	simm.s32 @!p0 $0x108  }
0x21: {  	s3 =	sadd.s32 s3, s9;
	s6 =	sadd.s32 @!p0 $0x88, s6;
	s7 =	simm.s32 @p2 $0x1082  }
0x22: {  	[simem:s7], [sflag:s8] =	dma.local @!p0 [hbm:s6], $0xF7A  }
0x23: {  	s9 =	sor.u32 $0xD0000000, s2;
	s6 =	simm.s32 $0x108;
	_ =	swait.ge @!p0 [sflag:s8], $0x0  }
0x24: {  	s3 =	sadd.s32 $0x88, s3;
	s6 =	simm.s32 @!p1 $0x1082;
	[sflag:s4] =	ssyncset.s32 $0xFFFFF086  }
0x25: {  	[simem:s6], [sflag:s4] =	dma.local [hbm:s3], $0xF7A  }
0x26: {  	[smem:$0x3F9E] =	sst s1;
	(tag) =	ssettag s2;
	_ =	strace s9  }
0x27: {  	s1 =	sld [smem:$0x3FAE]  }
0x28: {  	s2 =	sld [smem:$0x3FAF]  }
0x29: {  	s4 =	sld [smem:$0x3FB1]  }
0x2a: {  	p0 =	seq.s32 s5, $0x0;
	s5 =	sld [smem:$0x3FB2]  }
0x2b: {  	s6 =	sld [smem:$0x3FB3]  }
0x2c: {  	s7 =	sld [smem:$0x3FB4]  }
0x2d: {  	s3 =	simm.s32 $0x108;
	s8 =	sld [smem:$0x3FB5]  }
0x2e: {  	s3 =	simm.s32 @!p0 $0x1082;
	s9 =	sld [smem:$0x3FB6]  }
0x2f: {  	lr =	sadd.s32 s0, s3;
	s0 =	sld [smem:$0x3FAD]  }
0x30: {  	s3 =	sld [smem:$0x3FB0]  }
0x31: {  	[smem:$0x3FB9] =	sst s10  }
0x32: {  	s10 =	sld [smem:$0x3FB7];
	_ =	sdelay $0x3  }
0x33: {  	p0 =	seq.s32 s10, $0x1;
	s10 =	sld [smem:$0x3FB9];
	_ =	sdelay $0x3  }
0x34: {  	[smem:$0x3FB9] =	sst s10  }
0x35: {  	s10 =	sld [smem:$0x3FB8];
	_ =	sdelay $0x3  }
0x36: {  	p1 =	seq.s32 s10, $0x1;
	s10 =	sld [smem:$0x3FB9];
	_ =	sdelay $0x3  }
0x37: {  	[smem:$0x3FB9] =	sst s10  }
0x38: {  	s10 =	sld [smem:$0x3FBA]  }
0x39: {  	_ = 	snop;
	(pc) =	sbr.ind lr, $3  }
0x3a: {  	_ = 	snop  }
0x3b: {  	_ = 	snop  }
0x3c: {  	p2 =	seq.s32 s10, $0x1;
	s10 =	sld [smem:$0x3FB9]  }
0x3d: {  	_ =	shalt  }
0x3e: {  	_ =	shalt  }
0x3f: {  	_ =	shalt  }
0x40: {  	_ =	shalt  }
0x41: {  	_ =	shalt  }
0x42: {  	_ =	shalt  }
0x43: {  	_ =	shalt  }
0x44: {  	_ =	shalt  }
0x45: {  	_ =	shalt  }
0x46: {  	_ =	shalt  }
0x47: {  	_ =	shalt  }
0x48: {  	_ =	shalt  }
0x49: {  	_ =	shalt  }
0x4a: {  	_ =	shalt  }
0x4b: {  	_ =	shalt  }
0x4c: {  	_ =	shalt  }
0x4d: {  	_ =	shalt  }
0x4e: {  	_ =	shalt  }
0x4f: {  	_ =	shalt  }
0x50: {  	_ =	shalt  }
0x51: {  	_ =	shalt  }
0x52: {  	_ =	shalt  }
0x53: {  	_ =	shalt  }
0x54: {  	_ =	shalt  }
0x55: {  	_ =	shalt  }
0x56: {  	_ =	shalt  }
0x57: {  	_ =	shalt  }
0x58: {  	_ =	shalt  }
0x59: {  	_ =	shalt  }
0x5a: {  	_ =	shalt  }
0x5b: {  	_ =	shalt  }
0x5c: {  	_ =	shalt  }
0x5d: {  	_ =	shalt  }
0x5e: {  	_ =	shalt  }
0x5f: {  	_ =	shalt  }
0x60: {  	_ =	shalt  }
0x61: {  	_ =	shalt  }
0x62: {  	_ =	shalt  }
0x63: {  	_ =	shalt  }
0x64: {  	_ =	shalt  }
0x65: {  	_ =	shalt  }
0x66: {  	_ =	shalt  }
0x67: {  	_ =	shalt  }
0x68: {  	_ =	shalt  }
0x69: {  	_ =	shalt  }
0x6a: {  	_ =	shalt  }
0x6b: {  	_ =	shalt  }
0x6c: {  	_ =	shalt  }
0x6d: {  	_ =	shalt  }
0x6e: {  	_ =	shalt  }
0x6f: {  	_ =	shalt  }
0x70: {  	_ =	shalt  }
0x71: {  	_ =	shalt  }
0x72: {  	_ =	shalt  }
0x73: {  	_ =	shalt  }
0x74: {  	_ =	shalt  }
0x75: {  	_ =	shalt  }
0x76: {  	_ =	shalt  }
0x77: {  	_ =	shalt  }
0x78: {  	_ =	shalt  }
0x79: {  	_ =	shalt  }
0x7a: {  	_ =	shalt  }
0x7b: {  	_ =	shalt  }
0x7c: {  	_ =	shalt  }
0x7d: {  	_ =	shalt  }
0x7e: {  	_ =	shalt  }
0x7f: {  	_ =	shalt  }
0x80: {  	_ =	shalt  }
0x81: {  	_ =	shalt  }
0x82: {  	_ =	shalt  }
0x83: {  	_ =	shalt  }
0x84: {  	_ =	shalt  }
0x85: {  	_ =	shalt  }
0x86: {  	_ =	shalt  }
0x87: {  	_ =	shalt  }
.Lfunc_end0:
.L_simem_size_0:
called_computation_lowered:
.L_overlay_start_0:
0x88: {  	s2 =	sld [smem:$0x3FD9]  }
0x89: {  	s3 =	sld [smem:$0x3FFE];
	_ =	sdelay $0x1  }
0x8a: {  	s1 =	srdreg.scid  }
0x8b: {  	s0 =	sand.u32 $0x1, s1  }
0x8c: {  	s15 =	sshll.u32 s0, $0xA;
	s2 =	sadd.s32 s3, s2  }
0x8d: {  	s2 =	sadd.s32 s2, s15  }
0x8e: {  	[smem:$0x3FC5] =	sst s2  }
0x8f: {  	_ = 	snop  }
0x90: {  	s2 =	sld [smem:$0x3FD0]  }
0x91: {  	s16 =	sld [smem:$0x3FC9]  }
0x92: {  	s4 =	sld [smem:$0x3FC8]  }
0x93: {  	s6 =	simm.s32 $0xA;
	s7 =	simm.s32 $0x10;
	s5 =	sld [smem:$0x3FC7]  }
0x94: {  	[smem:s7], [sflag:s6] =	dma.local [hbm:s2], $0x1  }
0x95: {  	_ =	swait.eq [sflag:s6], $0x1  }
0x96: {  	[sflag:s6] =	ssyncset.done $0x0  }
0x97: {  	s17 =	sld [smem:$0x10];
	[sflag:s6] =	ssyncadd.s32 $0xFFFFFFFF  }
0x98: {  	s18 =	sld [smem:$0x11];
	(tm) =	ssettm $0x1  }
0x99: {  	s19 =	sld [smem:$0x3FFB];
	_ =	sdelay $0x3  }
0x9a: {  	_ =	strace s19  }
0x9b: {  	s7 =	sld [smem:$0x3FFC];
	_ =	sdelay $0x3  }
0x9c: {  	_ =	strace s7  }
0x9d: {  	s7 =	sld [smem:$0x3FFD];
	_ =	sdelay $0x3  }
0x9e: {  	_ =	strace s7  }
0x9f: {  	_ =	strace $0x8FFFFFFF  }
0xa0: {  	s20 =	sld [smem:$0x3FDB];
	_ =	sdelay $0x1  }
0xa1: {  	s8 =	simm.s32 $_scs_section_size  }
0xa2: {  	s9 =	simm.s32 $_size__tile_overlayer_lowered;
	s10 =	simm.s32 $_tile_overlayer_lowered  }
0xa3: {  	s23 =	simm.s32 $0x1BFF;
	s22 =	sshll.u32 s10, $0x1;
	s7 =	sadd.s32 s8, s20  }
0xa4: {  	s11 =	simm.s32 $0x0;
	s21 =	sshll.u32 s9, $0x1;
	s9 =	sadd.s32 s22, s7  }
0xa5: {  	[timem:s11], [sflag:s23] =	dma.local [hbm:s9], s21  }
0xa6: {  	_ =	swait.ge [sflag:s23], s21  }
0xa7: {  	s8 =	ssub.s32 $0x0, s21;
	[sflag:s23] =	ssyncset.done $0x0  }
0xa8: {  	[sflag:s23] =	ssyncadd.s32 s8;
	_ =	sdelay $0x1  }
0xa9: {  	s24 =	simm.s32 $0x1B8B  }
0xaa: {  	_ =	swait.ge [sflag:s24], $0x1  }
0xab: {  	[sflag:s24] =	ssyncset.done $0x0  }
0xac: {  	s25 =	simm.s32 $0x1B8E;
	[sflag:s24] =	ssyncadd.s32 $0xFFFFFFFF  }
0xad: {  	s26 =	simm.s32 $execute0_lowered;
	[smem:$0x3FD2] =	sst s25  }
0xae: {  	s8 =	sshll.u32 s26, $0x1;
	_ =	strace $0x80000046;
	[dreg:$0x1] =	wrdreg $0xFFFFFFFF  }
0xaf: {  	s28 =	simm.s32 $_size_execute0_lowered;
	s7 =	sadd.s32 s7, s8;
	[dreg:$0x0] =	wrdreg $0x0  }
0xb0: {  	s8 =	sshll.u32 s28, $0x1;
	[dreg:$0x2] =	wrdreg s7  }
0xb1: {  	[dreg:$0x3] =	wrdreg s8  }
0xb2: {  	[dreg:$0x4] =	wrdreg $0xC0  }
0xb3: {  	_ =	task [dreg:s11], $0x5FFFF  }
0xb4: {  	[dreg:$0x1] =	wrdreg $0xFFFFFFFF  }
0xb5: {  	[dreg:$0x0] =	wrdreg $0x60  }
0xb6: {  	[dreg:$0x2] =	wrdreg s16  }
0xb7: {  	[dreg:$0x3] =	wrdreg s4  }
0xb8: {  	[dreg:$0x4] =	wrdreg s5  }
0xb9: {  	[dreg:$0x5] =	wrdreg s17  }
0xba: {  	[dreg:$0x6] =	wrdreg s18  }
0xbb: {  	[dreg:$0x7] =	wrdreg $0x9  }
0xbc: {  	_ =	task.clear_ibuf [dreg:s11], $0x8FFFF;
	_ =	strace $0x90000046  }
0xbd: {  	s29 =	simm.s32 $0x9;
	_ =	strace $0x80000048  }
0xbe: {  	_ =	swait.ge [sflag:s29], $0x1  }
0xbf: {  	[sflag:s29] =	ssyncadd.s32 $0xFFFFFFFF  }
0xc0: {  	_ =	strace $0x90000048  }
0xc1: {  	_ =	sfence  }
0xc2: {  	s30 =	sld [smem:$0x0];
	_ =	sdelay $0x2  }
0xc3: {  	s31 =	sshll.u32 s1, $0xD;
	s1 =	sshrl.u32 s1, $0x2  }
0xc4: {  	s3 =	sand.u32 $0x4000, s31;
	s1 =	sadd.s32 s1, s30  }
0xc5: {  	s0 =	sor.u32 s3, s0;
	s1 =	sshll.u32 s1, $0x11  }
0xc6: {  	s0 =	sor.u32 s1, s0  }
0xc7: {  	s0 =	sadd.s32 $0x8F2B, s0  }
0xc8: {  	[sflag:s0] =	ssyncadd.remote.s32 $0x1  }
0xc9: {  	_ =	sfence.sel $0xFFFF  }
0xca: {  	[dreg:$0x0] =	wrdreg $0xFFFFFFFF;
	(pc) =	sbr.abs _section_cstart, $3  }
0xcb: {  	[dreg:$0x1] =	wrdreg $0xFFFFFFFF  }
0xcc: {  	_ =	task.clear_ibuf [dreg:s11], $0x2FFFF;
	_ =	strace $0x9FFFFFFF  }
0xcd: {  	(tm) =	ssettm $0x7FFFFFFF  }
tec
execute0_lowered:
.L_overlay_start_1:
0x0: {  	(tag) =	ssettag $0x1  }
0x1: {  	s0 =	rddreg [dreg:$0x0]  }
0x2: {  	s4 =	rddreg [dreg:$0x1]  }
0x3: {  	s3 =	rddreg [dreg:$0x2]  }
0x4: {  	s1 =	rddreg [dreg:$0x3]  }
0x5: {  	s8 =	stileid.u32;
	s5 =	rddreg [dreg:$0x4]  }
0x6: {  	s2 =	srdreg.scid;
	s30 =	simm.s32 $0x200;
	s28 =	simm.s32 $0xF  }
0x7: {  	p0 =	por $0x0, $0x0;
	s6 =	sshll.u32 s8, $0x1;
	s7 =	sand.u32 $0x1, s2  }
0x8: {  	s2 =	simm.s32 $0x0;
	s8 =	sshrl.u32 s8, $0x2;
	s6 =	sand.u32 $0x6, s6  }
0x9: {  	s10 =	sshll.u32 s8, $0x4;
	s8 =	sshll.u32 s8, $0x11;
	s6 =	sor.u32 s7, s6  }
0xa: {  	s0 =	sadd.s32 s0, s10;
	s9 =	sshll.u32 s6, $0xE;
	s6 =	sshll.u32 s6, $0x9  }
0xb: {  	[smem:$0x7FF] =	sst s2;
	s0 =	sadd.s32 s6, s0;
	s24 =	sor.u32 s8, s9  }
0xc: {  	_ =	strace $0x80000047;
	[dreg:$0x6] =	wrdreg s0;
	s25 =	sadd.s32 s1, s24  }
0xd: {  	s7 =	ssub.s32 $0x2, s7;
	s26 =	sadd.s32 s5, s24;
	[dreg:$0x7] =	wrdreg s25  }
0xe: {  	s8 =	sor.u32 $0x800, s24;
	s9 =	sor.u32 $0x1000, s24;
	[dreg:$0x8] =	wrdreg s26  }
0xf: {  	s12 =	sor.u32 $0x1800, s24;
	s29 =	sadd.s32 s1, s8;
	s31 =	rddreg [dreg:$0x6]  }
0x10: {  	s15 =	sor.u32 $0x2000, s24;
	s8 =	sadd.s32 s5, s8;
	[dreg:$0x9] =	wrdreg s29  }
0x11: {  	s18 =	sor.u32 $0x2800, s24;
	s10 =	sadd.s32 s1, s9;
	[dreg:$0xa] =	wrdreg s8  }
0x12: {  	s21 =	sor.u32 $0x3000, s24;
	s11 =	sadd.s32 s5, s9;
	[dreg:$0xb] =	wrdreg s10  }
0x13: {  	s6 =	sor.u32 $0x3800, s24;
	s13 =	sadd.s32 s1, s12;
	[dreg:$0xc] =	wrdreg s11  }
0x14: {  	s24 =	sshrl.u32 s7, $0x1;
	s14 =	sadd.s32 s5, s12;
	[dreg:$0xd] =	wrdreg s13  }
0x15: {  	s16 =	sadd.s32 s1, s15;
	s17 =	sadd.s32 s5, s15;
	[dreg:$0xe] =	wrdreg s14  }
0x16: {  	s19 =	sadd.s32 s1, s18;
	s20 =	sadd.s32 s5, s18;
	[dreg:$0xf] =	wrdreg s16  }
0x17: {  	s22 =	sadd.s32 s1, s21;
	s23 =	sadd.s32 s5, s21;
	[dreg:$0x10] =	wrdreg s17  }
0x18: {  	s25 =	sadd.s32 s1, s6;
	s26 =	ssub.s32 s7, s24;
	[dreg:$0x11] =	wrdreg s19  }
0x19: {  	s7 =	simm.s32 $0x4400;
	s18 =	simm.s32 $0x10400;
	[dreg:$0x12] =	wrdreg s20  }
0x1a: {  	s12 =	simm.s32 $0x1;
	s9 =	simm.s32 $0x2;
	[dreg:$0x13] =	wrdreg s22  }
0x1b: {  	s24 =	simm.s32 $0x6;
	s15 =	simm.s32 $0xC;
	[dreg:$0x14] =	wrdreg s23  }
0x1c: {  	s21 =	simm.s32 $0x7;
	s1 =	simm.s32 $0x380;
	[dreg:$0x15] =	wrdreg s25  }
0x1d: {  	s29 =	sadd.s32 s5, s6;
	s11 =	smax.u32 s26, $0x1;
	s19 =	simm.s32 $0x80  }
0x1e: {  	s8 =	simm.s32 $0x400;
	s22 =	simm.s32 $0x8400;
	p1 =	sne.s32 s11, $0x1  }
.Ltmp0:
0x1f: {  	s20 =	simm.s32 $0xC400;
	s17 =	simm.s32 $0x14400;
	(pc) =	sbr.rel @!p1 .LBB2_3-.Ltmp0, $4  }
0x20: {  	s16 =	simm.s32 $0x18400;
	s6 =	simm.s32 $0x8;
	s26 =	simm.s32 $0x3  }
0x21: {  	s5 =	simm.s32 $0x9;
	s25 =	simm.s32 $0x4;
	s10 =	simm.s32 $0xA  }
0x22: {  	s23 =	simm.s32 $0x5;
	s14 =	simm.s32 $0xB;
	s13 =	simm.s32 $0xD  }
0x23: {  	[dreg:$0x16] =	wrdreg s29;
	s0 =	sadd.s32 $0xFFFFFFFF, s11;
	s11 =	simm.s32 $0xE  }
0x24: {  	[tilespmem:s2], [sflag:$0xF] =	stream.strided.gather [hbm4b:s31+s19], $0x400, s30, s19, $0x38;
	[tilespmem:$0x1C400] =	vst v63  }
0x25: {  	_ =	swait.ge [sflag:s28], $0x400  }
0x26: {  	[sflag:s28] =	ssyncset.done $0x0  }
0x27: {  	[sflag:s28] =	ssyncadd.s32 $0xFFFFFC00  }
0x28: {  	[tilespmem:s8], [sflag:$0x1] =	stream.indirect.gather [hbm4b:s4+s19], $0x80, s2, s19, $0xb8;
	[tilespmem:$0x1C400] =	vst v63  }
0x29: {  	_ = 	snop  }
0x2a: {  	[tilespmem:s7], [sflag:$0x2] =	stream.indirect.gather [hbm4b:s3+s19], $0x80, s2, s19, $0xb8;
	[tilespmem:$0x1C400] =	vst v63  }
0x2b: {  	_ = 	snop  }
0x2c: {  	[tilespmem:s22], [sflag:$0x3] =	stream.indirect.gather [hbm4b:s4+s19], $0x80, s19, s19, $0xb8;
	[tilespmem:$0x1C400] =	vst v63  }
0x2d: {  	_ = 	snop  }
0x2e: {  	[tilespmem:s20], [sflag:$0x4] =	stream.indirect.gather [hbm4b:s3+s19], $0x80, s19, s19, $0xb8;
	[tilespmem:$0x1C400] =	vst v63  }
0x2f: {  	s31 =	simm.s32 $0x100  }
0x30: {  	[tilespmem:s18], [sflag:$0x5] =	stream.indirect.gather [hbm4b:s4+s19], $0x80, s31, s19, $0xb8;
	[tilespmem:$0x1C400] =	vst v63  }
0x31: {  	_ = 	snop  }
0x32: {  	[tilespmem:s17], [sflag:$0x6] =	stream.indirect.gather [hbm4b:s3+s19], $0x80, s31, s19, $0xb8;
	[tilespmem:$0x1C400] =	vst v63  }
0x33: {  	_ =	swait.ge [sflag:s12], $0x4000  }
0x34: {  	[sflag:s12] =	ssyncset.done $0x0  }
0x35: {  	s31 =	rddreg [dreg:$0x7];
	[sflag:s12] =	ssyncadd.s32 $0xFFFFC000  }
0x36: {  	[hbm4b:s31+s2] =	stream.linear.scatter [tilespmem:s8], [sflag:$0x8], $0x4000, $0x38;
	[tilespmem:$0x1C400] =	vst v63  }
0x37: {  	s29 =	simm.s32 $0x180  }
0x38: {  	[tilespmem:s16], [sflag:$0x7] =	stream.indirect.gather [hbm4b:s4+s19], $0x80, s29, s19, $0xb8;
	[tilespmem:$0x1C400] =	vst v63  }
0x39: {  	_ =	swait.ge [sflag:s9], $0x4000  }
0x3a: {  	[sflag:s9] =	ssyncset.done $0x0  }
0x3b: {  	s31 =	rddreg [dreg:$0x8];
	[sflag:s9] =	ssyncadd.s32 $0xFFFFC000  }
0x3c: {  	[hbm4b:s31+s2] =	stream.linear.scatter [tilespmem:s7], [sflag:$0x9], $0x4000, $0x38;
	[tilespmem:$0x1C400] =	vst v63  }
0x3d: {  	_ =	swait.ge [sflag:s6], $0x4000  }
0x3e: {  	[sflag:s6] =	ssyncset.done $0x0  }
0x3f: {  	[sflag:s6] =	ssyncadd.s32 $0xFFFFC000  }
0x40: {  	[tilespmem:s8], [sflag:$0x1] =	stream.indirect.gather [hbm4b:s3+s19], $0x80, s29, s19, $0xb8;
	[tilespmem:$0x1C400] =	vst v63  }
0x41: {  	_ =	swait.ge [sflag:s26], $0x4000  }
0x42: {  	[sflag:s26] =	ssyncset.done $0x0  }
0x43: {  	s31 =	rddreg [dreg:$0x9];
	[sflag:s26] =	ssyncadd.s32 $0xFFFFC000  }
0x44: {  	[hbm4b:s31+s2] =	stream.linear.scatter [tilespmem:s22], [sflag:$0xA], $0x4000, $0x38;
	[tilespmem:$0x1C400] =	vst v63  }
0x45: {  	_ =	swait.ge [sflag:s5], $0x4000  }
0x46: {  	[sflag:s5] =	ssyncset.done $0x0  }
0x47: {  	[sflag:s5] =	ssyncadd.s32 $0xFFFFC000  }
0x48: {  	[tilespmem:s7], [sflag:$0x2] =	stream.indirect.gather [hbm4b:s4+s19], $0x80, s30, s19, $0xb8;
	[tilespmem:$0x1C400] =	vst v63  }
0x49: {  	_ =	swait.ge [sflag:s25], $0x4000  }
0x4a: {  	[sflag:s25] =	ssyncset.done $0x0  }
0x4b: {  	s31 =	rddreg [dreg:$0xa];
	[sflag:s25] =	ssyncadd.s32 $0xFFFFC000  }
0x4c: {  	[hbm4b:s31+s2] =	stream.linear.scatter [tilespmem:s20], [sflag:$0xB], $0x4000, $0x38;
	[tilespmem:$0x1C400] =	vst v63  }
0x4d: {  	_ =	swait.ge [sflag:s10], $0x4000  }
0x4e: {  	[sflag:s10] =	ssyncset.done $0x0  }
0x4f: {  	[sflag:s10] =	ssyncadd.s32 $0xFFFFC000  }
0x50: {  	[tilespmem:s22], [sflag:$0x3] =	stream.indirect.gather [hbm4b:s3+s19], $0x80, s30, s19, $0xb8;
	[tilespmem:$0x1C400] =	vst v63  }
0x51: {  	_ =	swait.ge [sflag:s23], $0x4000  }
0x52: {  	[sflag:s23] =	ssyncset.done $0x0  }
0x53: {  	s31 =	rddreg [dreg:$0xb];
	[sflag:s23] =	ssyncadd.s32 $0xFFFFC000  }
0x54: {  	[hbm4b:s31+s2] =	stream.linear.scatter [tilespmem:s18], [sflag:$0xC], $0x4000, $0x38;
	[tilespmem:$0x1C400] =	vst v63  }
0x55: {  	_ =	swait.ge [sflag:s14], $0x4000  }
0x56: {  	[sflag:s14] =	ssyncset.done $0x0  }
0x57: {  	s29 =	smov.u32 s0;
	s0 =	simm.s32 $0x280;
	[sflag:s14] =	ssyncadd.s32 $0xFFFFC000  }
0x58: {  	[tilespmem:s20], [sflag:$0x4] =	stream.indirect.gather [hbm4b:s4+s19], $0x80, s0, s19, $0xb8;
	[tilespmem:$0x1C400] =	vst v63  }
0x59: {  	_ =	swait.ge [sflag:s24], $0x4000  }
0x5a: {  	[sflag:s24] =	ssyncset.done $0x0  }
0x5b: {  	s31 =	rddreg [dreg:$0xc];
	[sflag:s24] =	ssyncadd.s32 $0xFFFFC000  }
0x5c: {  	[hbm4b:s31+s2] =	stream.linear.scatter [tilespmem:s17], [sflag:$0xD], $0x4000, $0x38;
	[tilespmem:$0x1C400] =	vst v63  }
0x5d: {  	_ =	swait.ge [sflag:s15], $0x4000  }
0x5e: {  	[sflag:s15] =	ssyncset.done $0x0  }
0x5f: {  	[sflag:s15] =	ssyncadd.s32 $0xFFFFC000  }
0x60: {  	[tilespmem:s18], [sflag:$0x5] =	stream.indirect.gather [hbm4b:s3+s19], $0x80, s0, s19, $0xb8;
	[tilespmem:$0x1C400] =	vst v63  }
0x61: {  	_ =	swait.ge [sflag:s21], $0x4000  }
0x62: {  	[sflag:s21] =	ssyncset.done $0x0  }
0x63: {  	s31 =	rddreg [dreg:$0xd];
	[sflag:s21] =	ssyncadd.s32 $0xFFFFC000  }
0x64: {  	[hbm4b:s31+s2] =	stream.linear.scatter [tilespmem:s16], [sflag:$0xE], $0x4000, $0x38;
	[tilespmem:$0x1C400] =	vst v63  }
0x65: {  	_ =	swait.ge [sflag:s13], $0x4000  }
0x66: {  	[sflag:s13] =	ssyncset.done $0x0  }
0x67: {  	s0 =	simm.s32 $0x300;
	[sflag:s13] =	ssyncadd.s32 $0xFFFFC000  }
0x68: {  	[tilespmem:s17], [sflag:$0x6] =	stream.indirect.gather [hbm4b:s4+s19], $0x80, s0, s19, $0xb8;
	[tilespmem:$0x1C400] =	vst v63  }
0x69: {  	_ =	swait.ge [sflag:s12], $0x4000  }
0x6a: {  	[sflag:s12] =	ssyncset.done $0x0  }
0x6b: {  	s31 =	rddreg [dreg:$0xe];
	[sflag:s12] =	ssyncadd.s32 $0xFFFFC000  }
0x6c: {  	[hbm4b:s31+s2] =	stream.linear.scatter [tilespmem:s8], [sflag:$0x8], $0x4000, $0x38;
	[tilespmem:$0x1C400] =	vst v63  }
0x6d: {  	_ =	swait.ge [sflag:s11], $0x4000  }
0x6e: {  	[sflag:s11] =	ssyncset.done $0x0  }
0x6f: {  	[sflag:s11] =	ssyncadd.s32 $0xFFFFC000  }
0x70: {  	[tilespmem:s16], [sflag:$0x7] =	stream.indirect.gather [hbm4b:s3+s19], $0x80, s0, s19, $0xb8;
	[tilespmem:$0x1C400] =	vst v63  }
0x71: {  	_ =	swait.ge [sflag:s9], $0x4000  }
0x72: {  	[sflag:s9] =	ssyncset.done $0x0  }
0x73: {  	s31 =	rddreg [dreg:$0xf];
	[sflag:s9] =	ssyncadd.s32 $0xFFFFC000  }
0x74: {  	[hbm4b:s31+s2] =	stream.linear.scatter [tilespmem:s7], [sflag:$0x9], $0x4000, $0x38;
	[tilespmem:$0x1C400] =	vst v63  }
0x75: {  	_ =	swait.ge [sflag:s6], $0x4000  }
0x76: {  	[sflag:s6] =	ssyncset.done $0x0  }
0x77: {  	[sflag:s6] =	ssyncadd.s32 $0xFFFFC000  }
0x78: {  	[tilespmem:s8], [sflag:$0x1] =	stream.indirect.gather [hbm4b:s4+s19], $0x80, s1, s19, $0xb8;
	[tilespmem:$0x1C400] =	vst v63  }
0x79: {  	_ =	swait.ge [sflag:s26], $0x4000  }
0x7a: {  	[sflag:s26] =	ssyncset.done $0x0  }
0x7b: {  	s31 =	rddreg [dreg:$0x10];
	[sflag:s26] =	ssyncadd.s32 $0xFFFFC000  }
0x7c: {  	[hbm4b:s31+s2] =	stream.linear.scatter [tilespmem:s22], [sflag:$0xA], $0x4000, $0x38;
	[tilespmem:$0x1C400] =	vst v63  }
0x7d: {  	_ =	swait.ge [sflag:s5], $0x4000  }
0x7e: {  	[sflag:s5] =	ssyncset.done $0x0  }
0x7f: {  	[sflag:s5] =	ssyncadd.s32 $0xFFFFC000  }
0x80: {  	[tilespmem:s7], [sflag:$0x2] =	stream.indirect.gather [hbm4b:s3+s19], $0x80, s1, s19, $0xb8;
	[tilespmem:$0x1C400] =	vst v63  }
0x81: {  	_ =	swait.ge [sflag:s25], $0x4000  }
0x82: {  	[sflag:s25] =	ssyncset.done $0x0  }
0x83: {  	s31 =	rddreg [dreg:$0x11];
	[sflag:s25] =	ssyncadd.s32 $0xFFFFC000  }
0x84: {  	[hbm4b:s31+s2] =	stream.linear.scatter [tilespmem:s20], [sflag:$0xB], $0x4000, $0x38;
	[tilespmem:$0x1C400] =	vst v63  }
0x85: {  	_ =	swait.ge [sflag:s23], $0x4000  }
0x86: {  	[sflag:s23] =	ssyncset.done $0x0  }
0x87: {  	s31 =	rddreg [dreg:$0x12];
	[sflag:s23] =	ssyncadd.s32 $0xFFFFC000  }
0x88: {  	[hbm4b:s31+s2] =	stream.linear.scatter [tilespmem:s18], [sflag:$0xC], $0x4000, $0x38;
	[tilespmem:$0x1C400] =	vst v63  }
0x89: {  	_ =	swait.ge [sflag:s24], $0x4000  }
0x8a: {  	[sflag:s24] =	ssyncset.done $0x0  }
0x8b: {  	s31 =	rddreg [dreg:$0x13];
	[sflag:s24] =	ssyncadd.s32 $0xFFFFC000  }
0x8c: {  	[hbm4b:s31+s2] =	stream.linear.scatter [tilespmem:s17], [sflag:$0xD], $0x4000, $0x38;
	[tilespmem:$0x1C400] =	vst v63  }
0x8d: {  	_ =	swait.ge [sflag:s21], $0x4000  }
0x8e: {  	[sflag:s21] =	ssyncset.done $0x0  }
0x8f: {  	s31 =	rddreg [dreg:$0x14];
	[sflag:s21] =	ssyncadd.s32 $0xFFFFC000  }
0x90: {  	[hbm4b:s31+s2] =	stream.linear.scatter [tilespmem:s16], [sflag:$0xE], $0x4000, $0x38;
	[tilespmem:$0x1C400] =	vst v63  }
0x91: {  	_ =	swait.ge [sflag:s12], $0x4000  }
0x92: {  	[sflag:s12] =	ssyncset.done $0x0  }
0x93: {  	s31 =	rddreg [dreg:$0x15];
	[sflag:s12] =	ssyncadd.s32 $0xFFFFC000  }
0x94: {  	[hbm4b:s31+s2] =	stream.linear.scatter [tilespmem:s8], [sflag:$0x8], $0x4000, $0x38;
	[tilespmem:$0x1C400] =	vst v63  }
0x95: {  	_ =	swait.ge [sflag:s9], $0x4000  }
0x96: {  	[sflag:s9] =	ssyncset.done $0x0  }
0x97: {  	s31 =	rddreg [dreg:$0x16];
	[sflag:s9] =	ssyncadd.s32 $0xFFFFC000  }
0x98: {  	[hbm4b:s31+s2] =	stream.linear.scatter [tilespmem:s7], [sflag:$0x9], $0x4000, $0x38;
	[tilespmem:$0x1C400] =	vst v63  }
0x99: {  	_ =	swait.ge [sflag:s10], $0x4000  }
0x9a: {  	[sflag:s10] =	ssyncset.done $0x0  }
0x9b: {  	[sflag:s10] =	ssyncadd.s32 $0xFFFFC000  }
0x9c: {  	_ =	swait.ge [sflag:s14], $0x4000  }
0x9d: {  	[sflag:s14] =	ssyncset.done $0x0  }
0x9e: {  	[sflag:s14] =	ssyncadd.s32 $0xFFFFC000  }
0x9f: {  	_ =	swait.ge [sflag:s15], $0x4000  }
0xa0: {  	[sflag:s15] =	ssyncset.done $0x0  }
0xa1: {  	[sflag:s15] =	ssyncadd.s32 $0xFFFFC000  }
0xa2: {  	_ =	swait.ge [sflag:s13], $0x4000  }
0xa3: {  	[sflag:s13] =	ssyncset.done $0x0  }
0xa4: {  	[sflag:s13] =	ssyncadd.s32 $0xFFFFC000  }
0xa5: {  	_ =	swait.ge [sflag:s11], $0x4000  }
0xa6: {  	[sflag:s11] =	ssyncset.done $0x0  }
0xa7: {  	p1 =	sne.s32 s29, $0x1;
	[sflag:s11] =	ssyncadd.s32 $0xFFFFC000  }
.Ltmp1:
0xa8: {  	_ =	swait.ge [sflag:s6], $0x4000;
	(pc) =	sbr.rel @!p1 .LBB2_3-.Ltmp1, $4  }
0xa9: {  	[sflag:s6] =	ssyncset.done $0x0  }
0xaa: {  	[sflag:s6] =	ssyncadd.s32 $0xFFFFC000  }
0xab: {  	p0 =	por $0x1, $0x1;
	_ =	swait.ge [sflag:s5], $0x4000  }
0xac: {  	s29 =	sadd.s32 $0xFFFFFFFF, s29;
	s31 =	rddreg [dreg:$0x6];
	[sflag:s5] =	ssyncset.done $0x0  }
.LBB2_2:
0xad: {  	[sflag:s5] =	ssyncadd.s32 $0xFFFFC000  }
0xae: {  	[tilespmem:s2], [sflag:$0xF] =	stream.strided.gather [hbm4b:s31+s19], $0x400, s30, s19, $0x38;
	[tilespmem:$0x1C400] =	vst v63  }
0xaf: {  	_ =	swait.ge [sflag:s28], $0x400  }
0xb0: {  	[sflag:s28] =	ssyncset.done $0x0  }
0xb1: {  	[sflag:s28] =	ssyncadd.s32 $0xFFFFFC00  }
0xb2: {  	[tilespmem:s8], [sflag:$0x1] =	stream.indirect.gather [hbm4b:s4+s19], $0x80, s2, s19, $0xb8;
	[tilespmem:$0x1C400] =	vst v63  }
0xb3: {  	_ = 	snop  }
0xb4: {  	[tilespmem:s7], [sflag:$0x2] =	stream.indirect.gather [hbm4b:s3+s19], $0x80, s2, s19, $0xb8;
	[tilespmem:$0x1C400] =	vst v63  }
0xb5: {  	_ = 	snop  }
0xb6: {  	[tilespmem:s22], [sflag:$0x3] =	stream.indirect.gather [hbm4b:s4+s19], $0x80, s19, s19, $0xb8;
	[tilespmem:$0x1C400] =	vst v63  }
0xb7: {  	_ = 	snop  }
0xb8: {  	[tilespmem:s20], [sflag:$0x4] =	stream.indirect.gather [hbm4b:s3+s19], $0x80, s19, s19, $0xb8;
	[tilespmem:$0x1C400] =	vst v63  }
0xb9: {  	s31 =	simm.s32 $0x100  }
0xba: {  	[tilespmem:s18], [sflag:$0x5] =	stream.indirect.gather [hbm4b:s4+s19], $0x80, s31, s19, $0xb8;
	[tilespmem:$0x1C400] =	vst v63  }
0xbb: {  	_ = 	snop  }
0xbc: {  	[tilespmem:s17], [sflag:$0x6] =	stream.indirect.gather [hbm4b:s3+s19], $0x80, s31, s19, $0xb8;
	[tilespmem:$0x1C400] =	vst v63  }
0xbd: {  	_ =	swait.ge [sflag:s12], $0x4000  }
0xbe: {  	[sflag:s12] =	ssyncset.done $0x0  }
0xbf: {  	s31 =	rddreg [dreg:$0x7];
	[sflag:s12] =	ssyncadd.s32 $0xFFFFC000  }
0xc0: {  	[hbm4b:s31+s2] =	stream.linear.scatter [tilespmem:s8], [sflag:$0x8], $0x4000, $0x38;
	[tilespmem:$0x1C400] =	vst v63  }
0xc1: {  	s0 =	simm.s32 $0x180  }
0xc2: {  	[tilespmem:s16], [sflag:$0x7] =	stream.indirect.gather [hbm4b:s4+s19], $0x80, s0, s19, $0xb8;
	[tilespmem:$0x1C400] =	vst v63  }
0xc3: {  	_ =	swait.ge [sflag:s9], $0x4000  }
0xc4: {  	[sflag:s9] =	ssyncset.done $0x0  }
0xc5: {  	s31 =	rddreg [dreg:$0x8];
	[sflag:s9] =	ssyncadd.s32 $0xFFFFC000  }
0xc6: {  	[hbm4b:s31+s2] =	stream.linear.scatter [tilespmem:s7], [sflag:$0x9], $0x4000, $0x38;
	[tilespmem:$0x1C400] =	vst v63  }
0xc7: {  	_ =	swait.ge [sflag:s6], $0x4000  }
0xc8: {  	[sflag:s6] =	ssyncset.done $0x0  }
0xc9: {  	[sflag:s6] =	ssyncadd.s32 $0xFFFFC000  }
0xca: {  	[tilespmem:s8], [sflag:$0x1] =	stream.indirect.gather [hbm4b:s3+s19], $0x80, s0, s19, $0xb8;
	[tilespmem:$0x1C400] =	vst v63  }
0xcb: {  	_ =	swait.ge [sflag:s26], $0x4000  }
0xcc: {  	[sflag:s26] =	ssyncset.done $0x0  }
0xcd: {  	s31 =	rddreg [dreg:$0x9];
	[sflag:s26] =	ssyncadd.s32 $0xFFFFC000  }
0xce: {  	[hbm4b:s31+s2] =	stream.linear.scatter [tilespmem:s22], [sflag:$0xA], $0x4000, $0x38;
	[tilespmem:$0x1C400] =	vst v63  }
0xcf: {  	_ =	swait.ge [sflag:s5], $0x4000  }
0xd0: {  	[sflag:s5] =	ssyncset.done $0x0  }
0xd1: {  	[sflag:s5] =	ssyncadd.s32 $0xFFFFC000  }
0xd2: {  	[tilespmem:s7], [sflag:$0x2] =	stream.indirect.gather [hbm4b:s4+s19], $0x80, s30, s19, $0xb8;
	[tilespmem:$0x1C400] =	vst v63  }
0xd3: {  	_ =	swait.ge [sflag:s25], $0x4000  }
0xd4: {  	[sflag:s25] =	ssyncset.done $0x0  }
0xd5: {  	s31 =	rddreg [dreg:$0xa];
	[sflag:s25] =	ssyncadd.s32 $0xFFFFC000  }
0xd6: {  	[hbm4b:s31+s2] =	stream.linear.scatter [tilespmem:s20], [sflag:$0xB], $0x4000, $0x38;
	[tilespmem:$0x1C400] =	vst v63  }
0xd7: {  	_ =	swait.ge [sflag:s10], $0x4000  }
0xd8: {  	[sflag:s10] =	ssyncset.done $0x0  }
0xd9: {  	[sflag:s10] =	ssyncadd.s32 $0xFFFFC000  }
0xda: {  	[tilespmem:s22], [sflag:$0x3] =	stream.indirect.gather [hbm4b:s3+s19], $0x80, s30, s19, $0xb8;
	[tilespmem:$0x1C400] =	vst v63  }
0xdb: {  	_ =	swait.ge [sflag:s23], $0x4000  }
0xdc: {  	[sflag:s23] =	ssyncset.done $0x0  }
0xdd: {  	s31 =	rddreg [dreg:$0xb];
	[sflag:s23] =	ssyncadd.s32 $0xFFFFC000  }
0xde: {  	[hbm4b:s31+s2] =	stream.linear.scatter [tilespmem:s18], [sflag:$0xC], $0x4000, $0x38;
	[tilespmem:$0x1C400] =	vst v63  }
0xdf: {  	_ =	swait.ge [sflag:s14], $0x4000  }
0xe0: {  	[sflag:s14] =	ssyncset.done $0x0  }
0xe1: {  	s0 =	simm.s32 $0x280;
	[sflag:s14] =	ssyncadd.s32 $0xFFFFC000  }
0xe2: {  	[tilespmem:s20], [sflag:$0x4] =	stream.indirect.gather [hbm4b:s4+s19], $0x80, s0, s19, $0xb8;
	[tilespmem:$0x1C400] =	vst v63  }
0xe3: {  	_ =	swait.ge [sflag:s24], $0x4000  }
0xe4: {  	[sflag:s24] =	ssyncset.done $0x0  }
0xe5: {  	s31 =	rddreg [dreg:$0xc];
	[sflag:s24] =	ssyncadd.s32 $0xFFFFC000  }
0xe6: {  	[hbm4b:s31+s2] =	stream.linear.scatter [tilespmem:s17], [sflag:$0xD], $0x4000, $0x38;
	[tilespmem:$0x1C400] =	vst v63  }
0xe7: {  	_ =	swait.ge [sflag:s15], $0x4000  }
0xe8: {  	[sflag:s15] =	ssyncset.done $0x0  }
0xe9: {  	[sflag:s15] =	ssyncadd.s32 $0xFFFFC000  }
0xea: {  	[tilespmem:s18], [sflag:$0x5] =	stream.indirect.gather [hbm4b:s3+s19], $0x80, s0, s19, $0xb8;
	[tilespmem:$0x1C400] =	vst v63  }
0xeb: {  	_ =	swait.ge [sflag:s21], $0x4000  }
0xec: {  	[sflag:s21] =	ssyncset.done $0x0  }
0xed: {  	s31 =	rddreg [dreg:$0xd];
	[sflag:s21] =	ssyncadd.s32 $0xFFFFC000  }
0xee: {  	[hbm4b:s31+s2] =	stream.linear.scatter [tilespmem:s16], [sflag:$0xE], $0x4000, $0x38;
	[tilespmem:$0x1C400] =	vst v63  }
0xef: {  	_ =	swait.ge [sflag:s13], $0x4000  }
0xf0: {  	[sflag:s13] =	ssyncset.done $0x0  }
0xf1: {  	s0 =	simm.s32 $0x300;
	[sflag:s13] =	ssyncadd.s32 $0xFFFFC000  }
0xf2: {  	[tilespmem:s17], [sflag:$0x6] =	stream.indirect.gather [hbm4b:s4+s19], $0x80, s0, s19, $0xb8;
	[tilespmem:$0x1C400] =	vst v63  }
0xf3: {  	_ =	swait.ge [sflag:s12], $0x4000  }
0xf4: {  	[sflag:s12] =	ssyncset.done $0x0  }
0xf5: {  	s31 =	rddreg [dreg:$0xe];
	[sflag:s12] =	ssyncadd.s32 $0xFFFFC000  }
0xf6: {  	[hbm4b:s31+s2] =	stream.linear.scatter [tilespmem:s8], [sflag:$0x8], $0x4000, $0x38;
	[tilespmem:$0x1C400] =	vst v63  }
0xf7: {  	_ =	swait.ge [sflag:s11], $0x4000  }
0xf8: {  	[sflag:s11] =	ssyncset.done $0x0  }
0xf9: {  	[sflag:s11] =	ssyncadd.s32 $0xFFFFC000  }
0xfa: {  	[tilespmem:s16], [sflag:$0x7] =	stream.indirect.gather [hbm4b:s3+s19], $0x80, s0, s19, $0xb8;
	[tilespmem:$0x1C400] =	vst v63  }
0xfb: {  	_ =	swait.ge [sflag:s9], $0x4000  }
0xfc: {  	[sflag:s9] =	ssyncset.done $0x0  }
0xfd: {  	s31 =	rddreg [dreg:$0xf];
	[sflag:s9] =	ssyncadd.s32 $0xFFFFC000  }
0xfe: {  	[hbm4b:s31+s2] =	stream.linear.scatter [tilespmem:s7], [sflag:$0x9], $0x4000, $0x38;
	[tilespmem:$0x1C400] =	vst v63  }
0xff: {  	_ =	swait.ge [sflag:s6], $0x4000  }
0x100: {  	[sflag:s6] =	ssyncset.done $0x0  }
0x101: {  	[sflag:s6] =	ssyncadd.s32 $0xFFFFC000  }
0x102: {  	[tilespmem:s8], [sflag:$0x1] =	stream.indirect.gather [hbm4b:s4+s19], $0x80, s1, s19, $0xb8;
	[tilespmem:$0x1C400] =	vst v63  }
0x103: {  	_ =	swait.ge [sflag:s26], $0x4000  }
0x104: {  	[sflag:s26] =	ssyncset.done $0x0  }
0x105: {  	s31 =	rddreg [dreg:$0x10];
	[sflag:s26] =	ssyncadd.s32 $0xFFFFC000  }
0x106: {  	[hbm4b:s31+s2] =	stream.linear.scatter [tilespmem:s22], [sflag:$0xA], $0x4000, $0x38;
	[tilespmem:$0x1C400] =	vst v63  }
0x107: {  	_ =	swait.ge [sflag:s5], $0x4000  }
0x108: {  	[sflag:s5] =	ssyncset.done $0x0  }
0x109: {  	[sflag:s5] =	ssyncadd.s32 $0xFFFFC000  }
0x10a: {  	[tilespmem:s7], [sflag:$0x2] =	stream.indirect.gather [hbm4b:s3+s19], $0x80, s1, s19, $0xb8;
	[tilespmem:$0x1C400] =	vst v63  }
0x10b: {  	_ =	swait.ge [sflag:s25], $0x4000  }
0x10c: {  	[sflag:s25] =	ssyncset.done $0x0  }
0x10d: {  	s31 =	rddreg [dreg:$0x11];
	[sflag:s25] =	ssyncadd.s32 $0xFFFFC000  }
0x10e: {  	[hbm4b:s31+s2] =	stream.linear.scatter [tilespmem:s20], [sflag:$0xB], $0x4000, $0x38;
	[tilespmem:$0x1C400] =	vst v63  }
0x10f: {  	_ =	swait.ge [sflag:s23], $0x4000  }
0x110: {  	[sflag:s23] =	ssyncset.done $0x0  }
0x111: {  	s31 =	rddreg [dreg:$0x12];
	[sflag:s23] =	ssyncadd.s32 $0xFFFFC000  }
0x112: {  	[hbm4b:s31+s2] =	stream.linear.scatter [tilespmem:s18], [sflag:$0xC], $0x4000, $0x38;
	[tilespmem:$0x1C400] =	vst v63  }
0x113: {  	_ =	swait.ge [sflag:s24], $0x4000  }
0x114: {  	[sflag:s24] =	ssyncset.done $0x0  }
0x115: {  	s31 =	rddreg [dreg:$0x13];
	[sflag:s24] =	ssyncadd.s32 $0xFFFFC000  }
0x116: {  	[hbm4b:s31+s2] =	stream.linear.scatter [tilespmem:s17], [sflag:$0xD], $0x4000, $0x38;
	[tilespmem:$0x1C400] =	vst v63  }
0x117: {  	_ =	swait.ge [sflag:s21], $0x4000  }
0x118: {  	[sflag:s21] =	ssyncset.done $0x0  }
0x119: {  	s31 =	rddreg [dreg:$0x14];
	[sflag:s21] =	ssyncadd.s32 $0xFFFFC000  }
0x11a: {  	[hbm4b:s31+s2] =	stream.linear.scatter [tilespmem:s16], [sflag:$0xE], $0x4000, $0x38;
	[tilespmem:$0x1C400] =	vst v63  }
0x11b: {  	_ =	swait.ge [sflag:s12], $0x4000  }
0x11c: {  	[sflag:s12] =	ssyncset.done $0x0  }
0x11d: {  	s31 =	rddreg [dreg:$0x15];
	[sflag:s12] =	ssyncadd.s32 $0xFFFFC000  }
0x11e: {  	[hbm4b:s31+s2] =	stream.linear.scatter [tilespmem:s8], [sflag:$0x8], $0x4000, $0x38;
	[tilespmem:$0x1C400] =	vst v63  }
0x11f: {  	_ =	swait.ge [sflag:s9], $0x4000  }
0x120: {  	[sflag:s9] =	ssyncset.done $0x0  }
0x121: {  	s31 =	rddreg [dreg:$0x16];
	[sflag:s9] =	ssyncadd.s32 $0xFFFFC000  }
0x122: {  	[hbm4b:s31+s2] =	stream.linear.scatter [tilespmem:s7], [sflag:$0x9], $0x4000, $0x38;
	[tilespmem:$0x1C400] =	vst v63  }
0x123: {  	_ =	swait.ge [sflag:s10], $0x4000  }
0x124: {  	[sflag:s10] =	ssyncset.done $0x0  }
0x125: {  	[sflag:s10] =	ssyncadd.s32 $0xFFFFC000  }
0x126: {  	_ =	swait.ge [sflag:s14], $0x4000  }
0x127: {  	[sflag:s14] =	ssyncset.done $0x0  }
0x128: {  	[sflag:s14] =	ssyncadd.s32 $0xFFFFC000  }
0x129: {  	_ =	swait.ge [sflag:s15], $0x4000  }
0x12a: {  	[sflag:s15] =	ssyncset.done $0x0  }
0x12b: {  	[sflag:s15] =	ssyncadd.s32 $0xFFFFC000  }
0x12c: {  	_ =	swait.ge [sflag:s13], $0x4000  }
0x12d: {  	[sflag:s13] =	ssyncset.done $0x0  }
0x12e: {  	[sflag:s13] =	ssyncadd.s32 $0xFFFFC000  }
0x12f: {  	_ =	swait.ge [sflag:s11], $0x4000  }
0x130: {  	[sflag:s11] =	ssyncset.done $0x0  }
0x131: {  	p1 =	sne.s32 s29, $0x1;
	[sflag:s11] =	ssyncadd.s32 $0xFFFFC000  }
.Ltmp2:
0x132: {  	_ =	swait.ge [sflag:s6], $0x4000;
	(pc) =	sbr.rel @p1 .LBB2_2-.Ltmp2, $4  }
0x133: {  	[sflag:s6] =	ssyncset.done $0x0  }
0x134: {  	[sflag:s6] =	ssyncadd.s32 $0xFFFFC000  }
0x135: {  	_ =	swait.ge [sflag:s5], $0x4000  }
0x136: {  	s29 =	sadd.s32 $0xFFFFFFFF, s29;
	s31 =	rddreg [dreg:$0x6];
	[sflag:s5] =	ssyncset.done $0x0  }
.LBB2_3:
0x137: {  	[sflag:s5] =	ssyncadd.s32 @p0 $0xFFFFC000  }
0x138: {  	[tilespmem:s2], [sflag:$0xF] =	stream.strided.gather [hbm4b:s31+s19], $0x400, s30, s19, $0x38;
	[tilespmem:$0x1C400] =	vst v63  }
0x139: {  	_ =	swait.ge [sflag:s28], $0x400  }
0x13a: {  	[sflag:s28] =	ssyncset.done $0x0  }
0x13b: {  	[sflag:s28] =	ssyncadd.s32 $0xFFFFFC00  }
0x13c: {  	[tilespmem:s8], [sflag:$0x1] =	stream.indirect.gather [hbm4b:s4+s19], $0x80, s2, s19, $0xb8;
	[tilespmem:$0x1C400] =	vst v63  }
0x13d: {  	_ = 	snop  }
0x13e: {  	[tilespmem:s7], [sflag:$0x2] =	stream.indirect.gather [hbm4b:s3+s19], $0x80, s2, s19, $0xb8;
	[tilespmem:$0x1C400] =	vst v63  }
0x13f: {  	_ = 	snop  }
0x140: {  	[tilespmem:s22], [sflag:$0x3] =	stream.indirect.gather [hbm4b:s4+s19], $0x80, s19, s19, $0xb8;
	[tilespmem:$0x1C400] =	vst v63  }
0x141: {  	_ = 	snop  }
0x142: {  	[tilespmem:s20], [sflag:$0x4] =	stream.indirect.gather [hbm4b:s3+s19], $0x80, s19, s19, $0xb8;
	[tilespmem:$0x1C400] =	vst v63  }
0x143: {  	s0 =	simm.s32 $0x100  }
0x144: {  	[tilespmem:s18], [sflag:$0x5] =	stream.indirect.gather [hbm4b:s4+s19], $0x80, s0, s19, $0xb8;
	[tilespmem:$0x1C400] =	vst v63  }
0x145: {  	_ = 	snop  }
0x146: {  	[tilespmem:s17], [sflag:$0x6] =	stream.indirect.gather [hbm4b:s3+s19], $0x80, s0, s19, $0xb8;
	[tilespmem:$0x1C400] =	vst v63  }
0x147: {  	_ =	swait.ge [sflag:s12], $0x4000  }
0x148: {  	[sflag:s12] =	ssyncset.done $0x0  }
0x149: {  	s29 =	rddreg [dreg:$0x7];
	[sflag:s12] =	ssyncadd.s32 $0xFFFFC000  }
0x14a: {  	[hbm4b:s29+s2] =	stream.linear.scatter [tilespmem:s8], [sflag:$0x8], $0x4000, $0x38;
	[tilespmem:$0x1C400] =	vst v63  }
0x14b: {  	s1 =	simm.s32 $0x180  }
0x14c: {  	[tilespmem:s16], [sflag:$0x7] =	stream.indirect.gather [hbm4b:s4+s19], $0x80, s1, s19, $0xb8;
	[tilespmem:$0x1C400] =	vst v63  }
0x14d: {  	_ =	swait.ge [sflag:s9], $0x4000  }
0x14e: {  	[sflag:s9] =	ssyncset.done $0x0  }
0x14f: {  	s31 =	rddreg [dreg:$0x8];
	[sflag:s9] =	ssyncadd.s32 $0xFFFFC000  }
0x150: {  	[hbm4b:s31+s2] =	stream.linear.scatter [tilespmem:s7], [sflag:$0x9], $0x4000, $0x38;
	[tilespmem:$0x1C400] =	vst v63  }
0x151: {  	_ =	swait.ge [sflag:s6], $0x4000  }
0x152: {  	[sflag:s6] =	ssyncset.done $0x0  }
0x153: {  	[sflag:s6] =	ssyncadd.s32 $0xFFFFC000  }
0x154: {  	[tilespmem:s8], [sflag:$0x1] =	stream.indirect.gather [hbm4b:s3+s19], $0x80, s1, s19, $0xb8;
	[tilespmem:$0x1C400] =	vst v63  }
0x155: {  	_ =	swait.ge [sflag:s26], $0x4000  }
0x156: {  	[sflag:s26] =	ssyncset.done $0x0  }
0x157: {  	s1 =	rddreg [dreg:$0x9];
	[sflag:s26] =	ssyncadd.s32 $0xFFFFC000  }
0x158: {  	[hbm4b:s1+s2] =	stream.linear.scatter [tilespmem:s22], [sflag:$0xA], $0x4000, $0x38;
	[tilespmem:$0x1C400] =	vst v63  }
0x159: {  	_ =	swait.ge [sflag:s5], $0x4000  }
0x15a: {  	[sflag:s5] =	ssyncset.done $0x0  }
0x15b: {  	[sflag:s5] =	ssyncadd.s32 $0xFFFFC000  }
0x15c: {  	[tilespmem:s7], [sflag:$0x2] =	stream.indirect.gather [hbm4b:s4+s19], $0x80, s30, s19, $0xb8;
	[tilespmem:$0x1C400] =	vst v63  }
0x15d: {  	_ =	swait.ge [sflag:s25], $0x4000  }
0x15e: {  	[sflag:s25] =	ssyncset.done $0x0  }
0x15f: {  	s28 =	rddreg [dreg:$0xa];
	[sflag:s25] =	ssyncadd.s32 $0xFFFFC000  }
0x160: {  	[hbm4b:s28+s2] =	stream.linear.scatter [tilespmem:s20], [sflag:$0xB], $0x4000, $0x38;
	[tilespmem:$0x1C400] =	vst v63  }
0x161: {  	_ =	swait.ge [sflag:s10], $0x4000  }
0x162: {  	[sflag:s10] =	ssyncset.done $0x0  }
0x163: {  	[sflag:s10] =	ssyncadd.s32 $0xFFFFC000  }
0x164: {  	[tilespmem:s22], [sflag:$0x3] =	stream.indirect.gather [hbm4b:s3+s19], $0x80, s30, s19, $0xb8;
	[tilespmem:$0x1C400] =	vst v63  }
0x165: {  	_ =	swait.ge [sflag:s23], $0x4000  }
0x166: {  	[sflag:s23] =	ssyncset.done $0x0  }
0x167: {  	s29 =	rddreg [dreg:$0xb];
	[sflag:s23] =	ssyncadd.s32 $0xFFFFC000  }
0x168: {  	[hbm4b:s29+s2] =	stream.linear.scatter [tilespmem:s18], [sflag:$0xC], $0x4000, $0x38;
	[tilespmem:$0x1C400] =	vst v63  }
0x169: {  	_ =	swait.ge [sflag:s14], $0x4000  }
0x16a: {  	[sflag:s14] =	ssyncset.done $0x0  }
0x16b: {  	s30 =	simm.s32 $0x280;
	[sflag:s14] =	ssyncadd.s32 $0xFFFFC000  }
0x16c: {  	[tilespmem:s20], [sflag:$0x4] =	stream.indirect.gather [hbm4b:s4+s19], $0x80, s30, s19, $0xb8;
	[tilespmem:$0x1C400] =	vst v63  }
0x16d: {  	_ =	swait.ge [sflag:s24], $0x4000  }
0x16e: {  	[sflag:s24] =	ssyncset.done $0x0  }
0x16f: {  	s31 =	rddreg [dreg:$0xc];
	[sflag:s24] =	ssyncadd.s32 $0xFFFFC000  }
0x170: {  	[hbm4b:s31+s2] =	stream.linear.scatter [tilespmem:s17], [sflag:$0xD], $0x4000, $0x38;
	[tilespmem:$0x1C400] =	vst v63  }
0x171: {  	_ =	swait.ge [sflag:s15], $0x4000  }
0x172: {  	[sflag:s15] =	ssyncset.done $0x0  }
0x173: {  	[sflag:s15] =	ssyncadd.s32 $0xFFFFC000  }
0x174: {  	[tilespmem:s18], [sflag:$0x5] =	stream.indirect.gather [hbm4b:s3+s19], $0x80, s30, s19, $0xb8;
	[tilespmem:$0x1C400] =	vst v63  }
0x175: {  	_ =	swait.ge [sflag:s21], $0x4000  }
0x176: {  	[sflag:s21] =	ssyncset.done $0x0  }
0x177: {  	s1 =	rddreg [dreg:$0xd];
	[sflag:s21] =	ssyncadd.s32 $0xFFFFC000  }
0x178: {  	[hbm4b:s1+s2] =	stream.linear.scatter [tilespmem:s16], [sflag:$0xE], $0x4000, $0x38;
	[tilespmem:$0x1C400] =	vst v63  }
0x179: {  	_ =	swait.ge [sflag:s13], $0x4000  }
0x17a: {  	[sflag:s13] =	ssyncset.done $0x0  }
0x17b: {  	s28 =	simm.s32 $0x300;
	[sflag:s13] =	ssyncadd.s32 $0xFFFFC000  }
0x17c: {  	[tilespmem:s17], [sflag:$0x6] =	stream.indirect.gather [hbm4b:s4+s19], $0x80, s28, s19, $0xb8;
	[tilespmem:$0x1C400] =	vst v63  }
0x17d: {  	_ =	swait.ge [sflag:s12], $0x4000  }
0x17e: {  	[sflag:s12] =	ssyncset.done $0x0  }
0x17f: {  	s29 =	rddreg [dreg:$0xe];
	[sflag:s12] =	ssyncadd.s32 $0xFFFFC000  }
0x180: {  	[hbm4b:s29+s2] =	stream.linear.scatter [tilespmem:s8], [sflag:$0x8], $0x4000, $0x38;
	[tilespmem:$0x1C400] =	vst v63  }
0x181: {  	_ =	swait.ge [sflag:s11], $0x4000  }
0x182: {  	[sflag:s11] =	ssyncset.done $0x0  }
0x183: {  	[sflag:s11] =	ssyncadd.s32 $0xFFFFC000  }
0x184: {  	[tilespmem:s16], [sflag:$0x7] =	stream.indirect.gather [hbm4b:s3+s19], $0x80, s28, s19, $0xb8;
	[tilespmem:$0x1C400] =	vst v63  }
0x185: {  	_ =	swait.ge [sflag:s9], $0x4000  }
0x186: {  	[sflag:s9] =	ssyncset.done $0x0  }
0x187: {  	s30 =	rddreg [dreg:$0xf];
	[sflag:s9] =	ssyncadd.s32 $0xFFFFC000  }
0x188: {  	[hbm4b:s30+s2] =	stream.linear.scatter [tilespmem:s7], [sflag:$0x9], $0x4000, $0x38;
	[tilespmem:$0x1C400] =	vst v63  }
0x189: {  	_ =	swait.ge [sflag:s6], $0x4000  }
0x18a: {  	[sflag:s6] =	ssyncset.done $0x0  }
0x18b: {  	s31 =	simm.s32 $0x380;
	[sflag:s6] =	ssyncadd.s32 $0xFFFFC000  }
0x18c: {  	[tilespmem:s8], [sflag:$0x1] =	stream.indirect.gather [hbm4b:s4+s19], $0x80, s31, s19, $0xb8;
	[tilespmem:$0x1C400] =	vst v63  }
0x18d: {  	_ =	swait.ge [sflag:s26], $0x4000  }
0x18e: {  	[sflag:s26] =	ssyncset.done $0x0  }
0x18f: {  	s4 =	rddreg [dreg:$0x10];
	[sflag:s26] =	ssyncadd.s32 $0xFFFFC000  }
0x190: {  	[hbm4b:s4+s2] =	stream.linear.scatter [tilespmem:s22], [sflag:$0xA], $0x4000, $0x38;
	[tilespmem:$0x1C400] =	vst v63  }
0x191: {  	_ =	swait.ge [sflag:s5], $0x4000  }
0x192: {  	[sflag:s5] =	ssyncset.done $0x0  }
0x193: {  	[sflag:s5] =	ssyncadd.s32 $0xFFFFC000  }
0x194: {  	[tilespmem:s7], [sflag:$0x2] =	stream.indirect.gather [hbm4b:s3+s19], $0x80, s31, s19, $0xb8;
	[tilespmem:$0x1C400] =	vst v63  }
0x195: {  	_ =	swait.ge [sflag:s25], $0x4000  }
0x196: {  	[sflag:s25] =	ssyncset.done $0x0  }
0x197: {  	s22 =	rddreg [dreg:$0x11];
	[sflag:s25] =	ssyncadd.s32 $0xFFFFC000  }
0x198: {  	[hbm4b:s22+s2] =	stream.linear.scatter [tilespmem:s20], [sflag:$0xB], $0x4000, $0x38;
	[tilespmem:$0x1C400] =	vst v63  }
0x199: {  	_ =	swait.ge [sflag:s23], $0x4000  }
0x19a: {  	[sflag:s23] =	ssyncset.done $0x0  }
0x19b: {  	s25 =	rddreg [dreg:$0x12];
	[sflag:s23] =	ssyncadd.s32 $0xFFFFC000  }
0x19c: {  	[hbm4b:s25+s2] =	stream.linear.scatter [tilespmem:s18], [sflag:$0xC], $0x4000, $0x38;
	[tilespmem:$0x1C400] =	vst v63  }
0x19d: {  	_ =	swait.ge [sflag:s24], $0x4000  }
0x19e: {  	[sflag:s24] =	ssyncset.done $0x0  }
0x19f: {  	s26 =	rddreg [dreg:$0x13];
	[sflag:s24] =	ssyncadd.s32 $0xFFFFC000  }
0x1a0: {  	[hbm4b:s26+s2] =	stream.linear.scatter [tilespmem:s17], [sflag:$0xD], $0x4000, $0x38;
	[tilespmem:$0x1C400] =	vst v63  }
0x1a1: {  	_ =	swait.ge [sflag:s21], $0x4000  }
0x1a2: {  	[sflag:s21] =	ssyncset.done $0x0  }
0x1a3: {  	s28 =	rddreg [dreg:$0x14];
	[sflag:s21] =	ssyncadd.s32 $0xFFFFC000  }
0x1a4: {  	[hbm4b:s28+s2] =	stream.linear.scatter [tilespmem:s16], [sflag:$0xE], $0x4000, $0x38;
	[tilespmem:$0x1C400] =	vst v63  }
0x1a5: {  	_ =	swait.ge [sflag:s12], $0x4000  }
0x1a6: {  	[sflag:s12] =	ssyncset.done $0x0  }
0x1a7: {  	s29 =	rddreg [dreg:$0x15];
	[sflag:s12] =	ssyncadd.s32 $0xFFFFC000  }
0x1a8: {  	[hbm4b:s29+s2] =	stream.linear.scatter [tilespmem:s8], [sflag:$0x8], $0x4000, $0x38;
	[tilespmem:$0x1C400] =	vst v63  }
0x1a9: {  	_ =	swait.ge [sflag:s9], $0x4000  }
0x1aa: {  	[sflag:s9] =	ssyncset.done $0x0  }
0x1ab: {  	s30 =	rddreg [dreg:$0x16];
	[sflag:s9] =	ssyncadd.s32 $0xFFFFC000  }
0x1ac: {  	[hbm4b:s30+s2] =	stream.linear.scatter [tilespmem:s7], [sflag:$0x9], $0x4000, $0x38;
	[tilespmem:$0x1C400] =	vst v63  }
0x1ad: {  	_ =	swait.ge [sflag:s10], $0x4000  }
0x1ae: {  	[sflag:s10] =	ssyncset.done $0x0  }
0x1af: {  	[sflag:s10] =	ssyncadd.s32 $0xFFFFC000  }
0x1b0: {  	_ =	swait.ge [sflag:s14], $0x4000  }
0x1b1: {  	[sflag:s14] =	ssyncset.done $0x0  }
0x1b2: {  	[sflag:s14] =	ssyncadd.s32 $0xFFFFC000  }
0x1b3: {  	_ =	swait.ge [sflag:s15], $0x4000  }
0x1b4: {  	[sflag:s15] =	ssyncset.done $0x0  }
0x1b5: {  	[sflag:s15] =	ssyncadd.s32 $0xFFFFC000  }
0x1b6: {  	_ =	swait.ge [sflag:s13], $0x4000  }
0x1b7: {  	[sflag:s13] =	ssyncset.done $0x0  }
0x1b8: {  	[sflag:s13] =	ssyncadd.s32 $0xFFFFC000  }
0x1b9: {  	_ =	swait.ge [sflag:s11], $0x4000  }
0x1ba: {  	[sflag:s11] =	ssyncset.done $0x0  }
0x1bb: {  	[sflag:s11] =	ssyncadd.s32 $0xFFFFC000  }
0x1bc: {  	_ =	swait.ge [sflag:s6], $0x4000  }
0x1bd: {  	[sflag:s6] =	ssyncset.done $0x0  }
0x1be: {  	[sflag:s6] =	ssyncadd.s32 $0xFFFFC000  }
0x1bf: {  	_ =	swait.ge [sflag:s5], $0x4000  }
0x1c0: {  	[sflag:s5] =	ssyncset.done $0x0  }
0x1c1: {  	[sflag:s5] =	ssyncadd.s32 $0xFFFFC000  }
0x1c2: {  	_ =	sfence.sel $0x180000  }
0x1c3: {  	[bflag:$0x0] =	sbarrier.arrive $0xFFFF  }
0x1c4: {  	_ =	strace $0x90000047  }
0x1c5: {  	s31 =	stileid.u32;
	[bflag:$0x2] =	sbarrier.arrive $0xFFFF  }
0x1c6: {  	p0 =	sne.s32 s31, $0x0;
	s0 =	rddreg [dreg:$0x5]  }
0x1c7: {  	s0 =	sadd.s32 @!p0 $0x100000, s0  }
0x1c8: {  	[sflag:s0] =	ssyncadd.tile.s32 @!p0 $0x1;
	_ =	shalt  }
.Lfunc_end2:
_tile_overlayer_lowered:
.L_overlay_start_2:
0x1c9: {  	(tag) =	ssettag $0x2  }
0x1ca: {  	s0 =	rddreg [dreg:$0x0];
	s2 =	stileid.u32  }
0x1cb: {  	s1 =	rddreg [dreg:$0x1];
	p0 =	sne.s32 s2, $0x0  }
0x1cc: {  	s3 =	rddreg [dreg:$0x2];
	[bflag:$0x3] =	sbarrier.arrive $0xFFFF;
	s2 =	simm.s32 @!p0 $0x1C0F  }
0x1cd: {  	[timem:s3], [sflag:s2] =	dma.local @!p0 [hbm:s0], s1  }
0x1ce: {  	s0 =	simm.s32 @!p0 $0xF  }
0x1cf: {  	_ =	swait.ge @!p0 [sflag:s0], s1  }
0x1d0: {  	s1 =	ssub.s32 @!p0 $0x0, s1;
	[sflag:s0] =	ssyncset.done @!p0 $0x0  }
0x1d1: {  	[sflag:s0] =	ssyncadd.s32 @!p0 s1  }
0x1d2: {  	[bflag:$0x3] =	sbarrier.arrive $0xFFFF  }
0x1d3: {  	_ =	shalt  }

</sc_bundles>
